<compile_context>
chip_gen: v7x
topology: tpu7x:2x2x1
jax: 0.10.2.dev20260603
libtpu: 0.0.44.dev20260713+nightly
codegen_flags: <defaults>
</compile_context>

<pallas_src>
import functools

import jax
import jax.numpy as jnp
from jax import lax
from jax.experimental import pallas as pl
from jax.experimental.pallas import tpu as pltpu
from jax.experimental.pallas import tpu_sc as plsc

N_NODES = 10000
N_PAD = 10240
D = 128
N_EDGES = 320000

NC = 2
NS = 16
CHUNK = 125
CHUNKS_PER_TILE = N_EDGES // (CHUNK * NC * NS)
HALF = CHUNKS_PER_TILE // 2
ROWS_PER_TILE = N_PAD // NS

BLK = 2048


def _segsum_sc(x, zeros, src2d, dst2d):
    x_rows = x.shape[0]
    mesh = plsc.VectorSubcoreMesh(core_axis_name="c", subcore_axis_name="s")

    @functools.partial(
        pl.kernel,
        mesh=mesh,
        out_type=jax.ShapeDtypeStruct((NC * N_PAD, D), jnp.float32),
        scratch_types=[
            pltpu.VMEM((HALF, CHUNK), jnp.int32),
            pltpu.VMEM((HALF, CHUNK), jnp.int32),
            pltpu.VMEM((CHUNK, D), jnp.float32),
            pltpu.VMEM((CHUNK, D), jnp.float32),
            pltpu.VMEM_SHARED((N_PAD, D), jnp.float32),
            pltpu.SemaphoreType.DMA,
            pltpu.SemaphoreType.DMA,
        ],
    )
    def segsum(x_hbm, z_hbm, src_hbm, dst_hbm, out_hbm,
               src_v, dst_v, buf0, buf1, acc, sem0, sem1):
        c = lax.axis_index("c")
        s = lax.axis_index("s")
        w = c * NS + s

        row0 = s * ROWS_PER_TILE

        if x_rows == N_PAD:
            @pl.when(c == 0)
            def _():
                pltpu.sync_copy(x_hbm.at[pl.ds(row0, ROWS_PER_TILE)],
                                acc.at[pl.ds(row0, ROWS_PER_TILE)])
        else:
            last = N_NODES - (NS - 1) * ROWS_PER_TILE

            @pl.when((c == 0) & (s < NS - 1))
            def _():
                pltpu.sync_copy(x_hbm.at[pl.ds(row0, ROWS_PER_TILE)],
                                acc.at[pl.ds(row0, ROWS_PER_TILE)])

            @pl.when((c == 0) & (s == NS - 1))
            def _():
                pltpu.sync_copy(x_hbm.at[pl.ds((NS - 1) * ROWS_PER_TILE,
                                               last)],
                                acc.at[pl.ds((NS - 1) * ROWS_PER_TILE,
                                             last)])

        @pl.when(c != 0)
        def _():
            pltpu.sync_copy(z_hbm.at[pl.ds(row0, ROWS_PER_TILE)],
                            acc.at[pl.ds(row0, ROWS_PER_TILE)])

        pltpu.sync_copy(src_hbm.at[pl.ds(w * CHUNKS_PER_TILE, HALF)], src_v)
        pltpu.sync_copy(dst_hbm.at[pl.ds(w * CHUNKS_PER_TILE, HALF)], dst_v)
        pltpu.make_async_copy(x_hbm.at[src_v.at[0]], buf0, sem0).start()

        plsc.subcore_barrier()

        for h in range(2):
            if h:
                base = w * CHUNKS_PER_TILE + h * HALF
                pltpu.sync_copy(src_hbm.at[pl.ds(base, HALF)], src_v)
                pltpu.sync_copy(dst_hbm.at[pl.ds(base, HALF)], dst_v)
                pltpu.make_async_copy(x_hbm.at[src_v.at[0]], buf0,
                                      sem0).start()

            def body(i, carry):
                j0 = 2 * i
                j1 = j0 + 1
                pltpu.make_async_copy(x_hbm.at[src_v.at[j0]], buf0,
                                      sem0).wait()
                pltpu.make_async_copy(x_hbm.at[src_v.at[j1]], buf1,
                                      sem1).start()
                pltpu.sync_copy(buf0, acc.at[dst_v.at[j0]], add=True)
                pltpu.make_async_copy(x_hbm.at[src_v.at[j1]], buf1,
                                      sem1).wait()

                @pl.when(j0 + 2 < HALF)
                def _():
                    pltpu.make_async_copy(x_hbm.at[src_v.at[j0 + 2]], buf0,
                                          sem0).start()

                pltpu.sync_copy(buf1, acc.at[dst_v.at[j1]], add=True)
                return carry

            lax.fori_loop(0, HALF // 2, body, 0)

        plsc.subcore_barrier()

        out_row = c * N_PAD + row0
        pltpu.sync_copy(acc.at[pl.ds(row0, ROWS_PER_TILE)],
                        out_hbm.at[pl.ds(out_row, ROWS_PER_TILE)])

    return segsum(x, zeros, src2d, dst2d)


def _apply_tc(p, Wt, b, out_rows, blk):

    def body(p_ref, w_ref, b_ref, o_ref):
        sblk = p_ref[0] + p_ref[1]
        y = jnp.dot(sblk, w_ref[...], preferred_element_type=jnp.float32)
        y = y + b_ref[...]
        o_ref[...] = jnp.where(y > 0, y, jnp.exp(jnp.minimum(y, 0.0)) - 1.0)

    return pl.pallas_call(
        body,
        grid=(out_rows // blk,),
        in_specs=[
            pl.BlockSpec((2, blk, D), lambda i: (0, i, 0)),
            pl.BlockSpec((D, D), lambda i: (0, 0)),
            pl.BlockSpec((1, D), lambda i: (0, 0)),
        ],
        out_specs=pl.BlockSpec((blk, D), lambda i: (i, 0)),
        out_shape=jax.ShapeDtypeStruct((out_rows, D), jnp.float32),
    )(p, Wt, b)


def kernel(features, edge_index, order_attn, W1, b1, W2, b2):
    del order_attn
    src2d = edge_index[0].reshape(NC * NS * CHUNKS_PER_TILE, CHUNK)
    dst2d = edge_index[1].reshape(NC * NS * CHUNKS_PER_TILE, CHUNK)
    zeros = jnp.zeros((N_PAD, D), jnp.float32)

    p1 = _segsum_sc(features, zeros, src2d, dst2d).reshape(NC, N_PAD, D)
    h1 = _apply_tc(p1, W1.T, b1.reshape(1, D), N_PAD, BLK)
    p2 = _segsum_sc(h1, zeros, src2d, dst2d).reshape(NC, N_PAD, D)
    return _apply_tc(p2, W2.T, b2.reshape(1, D), N_NODES, 1000)

# --- scband reference (transcript-rebuilt; emitter-appended) ---
"""Pipeline reference for scband-dgl-gin-1099511628221 (READ-ONLY COPY).

The authoritative reference and input builder live on the scoring server;
editing this copy changes nothing except your own understanding.
"""

import jax, jax.numpy as jnp
import numpy as np

N_NODES = 10000
N_EDGES = 320000
D_IN = 128
D_HID = 128
D_OUT = 128


def setup_inputs(seed: int = 0):
    key = jax.random.key(seed)
    k1, k2, k3, k4 = jax.random.split(key, 4)
    features = jax.random.normal(k1, (N_NODES, D_IN), dtype=jnp.float32)
    edge_index = jax.random.randint(k2, (2, N_EDGES), 0, N_NODES, dtype=jnp.int32)
    order_attn = jnp.ones((1,), dtype=jnp.float32)
    # parameters (xavier-normal-like init for weights, zeros for bias)
    gain = float(np.sqrt(2.0))  # relu gain
    std1 = gain * np.sqrt(2.0 / (D_IN + D_HID))
    std2 = gain * np.sqrt(2.0 / (D_HID + D_OUT))
    W1 = jax.random.normal(k3, (D_HID, D_IN), dtype=jnp.float32) * std1
    b1 = jnp.zeros((D_HID,), dtype=jnp.float32)
    W2 = jax.random.normal(k4, (D_OUT, D_HID), dtype=jnp.float32) * std2
    b2 = jnp.zeros((D_OUT,), dtype=jnp.float32)
    return {
        "features": features,
        "edge_index": edge_index,
        "order_attn": order_attn,
        "W1": W1,
        "b1": b1,
        "W2": W2,
        "b2": b2,
    }


def _gin_conv(x, src, dst, W, b, num_nodes):
    # DGL GINConv with aggregator_type='sum', eps=0 (non-learnable default):
    # rst = (1 + eps) * x + sum_{j in N(i)} x_j ; then apply_func (Linear)
    msgs = jnp.take(x, src, axis=0)
    agg = jax.ops.segment_sum(msgs, dst, num_segments=num_nodes)
    rst = x + agg
    return rst @ W.T + b


def reference(features, edge_index, order_attn, W1, b1, W2, b2):
    # len(g_list) == 1 path of dgl_gin.forward (order_attn unused here)
    src = edge_index[0]
    dst = edge_index[1]
    n = features.shape[0]
    x = _gin_conv(features, src, dst, W1, b1, n)
    x = jax.nn.elu(x)
    x = _gin_conv(x, src, dst, W2, b2, n)
    x = jax.nn.elu(x)
    return x

if __name__ == "__main__":
    import jax
    _d = setup_inputs()
    print(jax.jit(kernel)(*tuple(_d.values())))

</pallas_src>

<mosaic_0001>
#map = affine_map<(d0, d1) -> (0, 0)>
module attributes {stable_mosaic.version = 14 : i64} {
  func.func @segsum(%arg0: i32, %arg1: i32, %arg2: memref<10240x128xf32, #tpu.memory_space<hbm>>, %arg3: memref<10240x128xf32, #tpu.memory_space<hbm>>, %arg4: memref<2560x125xi32, #tpu.memory_space<hbm>>, %arg5: memref<2560x125xi32, #tpu.memory_space<hbm>>, %arg6: memref<20480x128xf32, #tpu.memory_space<hbm>>, %arg7: memref<40x125xi32, #tpu.memory_space<vmem>>, %arg8: memref<40x125xi32, #tpu.memory_space<vmem>>, %arg9: memref<125x128xf32, #tpu.memory_space<vmem>>, %arg10: memref<125x128xf32, #tpu.memory_space<vmem>>, %arg11: memref<10240x128xf32, #tpu.memory_space<vmem_shared>>, %arg12: memref<!tpu.dma_semaphore, #tpu.memory_space<semaphore_mem>>, %arg13: memref<!tpu.dma_semaphore, #tpu.memory_space<semaphore_mem>>) attributes {dimension_semantics = [#tpu.dimension_semantics<core_parallel>, #tpu.dimension_semantics<subcore_parallel>], iteration_bounds = array<i64: 2, 16>, scalar_prefetch = 0 : i64, scratch_operands = 7 : i64, tpu.core_type = #tpu.core_type<sc_vector_subcore>, window_params = [{transform_indices = #map}, {transform_indices = #map}, {transform_indices = #map}, {transform_indices = #map}, {transform_indices = #map}]} {
    %mul3A = arith.constant 16 : i32
    %mul3A_0 = arith.muli %arg0, %mul3A : i32
    %add3A = arith.addi %mul3A_0, %arg1 : i32
    %mul3A_1 = arith.constant 640 : i32
    %mul3A_2 = arith.muli %arg1, %mul3A_1 : i32
    %eq3A = arith.constant 0 : i32
    %eq3A_3 = arith.cmpi eq, %arg0, %eq3A : i32
    %convert_element_type3A = arith.extui %eq3A_3 : i1 to i32
    %cond3A = arith.constant 0 : i32
    %cond3A_4 = arith.cmpi ne, %convert_element_type3A, %cond3A : i32
    scf.if %cond3A_4 {
      "tpu.region"() ({
        %run_scoped3A = tpu.sem_alloc : memref<!tpu.dma_semaphore, #tpu.memory_space<semaphore_mem>>
        %dma_start3A_45 = arith.constant 0 : i32
        %dma_start3A_46 = tpu.memref_slice %arg11[%mul3A_2, %dma_start3A_45] : memref<10240x128xf32, #tpu.memory_space<vmem_shared>> -> memref<640x128xf32, #tpu.memory_space<vmem_shared>>
        %dma_start3A_47 = arith.constant 0 : i32
        %dma_start3A_48 = tpu.memref_slice %arg2[%mul3A_2, %dma_start3A_47] : memref<10240x128xf32, #tpu.memory_space<hbm>> -> memref<640x128xf32, #tpu.memory_space<hbm>>
        tpu.enqueue_dma source(%dma_start3A_48 : memref<640x128xf32, #tpu.memory_space<hbm>>) target(%dma_start3A_46 : memref<640x128xf32, #tpu.memory_space<vmem_shared>>) target_semaphore(%run_scoped3A : memref<!tpu.dma_semaphore, #tpu.memory_space<semaphore_mem>>)
        %dma_wait3A = arith.constant 0 : i32
        %dma_wait3A_49 = tpu.memref_slice %arg11[%mul3A_2, %dma_wait3A] : memref<10240x128xf32, #tpu.memory_space<vmem_shared>> -> memref<640x128xf32, #tpu.memory_space<vmem_shared>>
        %dma_wait3A_50 = arith.constant 0 : i32
        %dma_wait3A_51 = tpu.memref_slice %arg2[%mul3A_2, %dma_wait3A_50] : memref<10240x128xf32, #tpu.memory_space<hbm>> -> memref<640x128xf32, #tpu.memory_space<hbm>>
        tpu.wait_dma2 semaphore(%run_scoped3A : memref<!tpu.dma_semaphore, #tpu.memory_space<semaphore_mem>>) src(%dma_wait3A_51 : memref<640x128xf32, #tpu.memory_space<hbm>>) dst(%dma_wait3A_49 : memref<640x128xf32, #tpu.memory_space<vmem_shared>>)
        tpu.yield
      }) : () -> ()
    } else {
    }
    %ne3A = arith.constant 0 : i32
    %ne3A_5 = arith.cmpi ne, %arg0, %ne3A : i32
    %convert_element_type3A_6 = arith.extui %ne3A_5 : i1 to i32
    %cond3A_7 = arith.constant 0 : i32
    %cond3A_8 = arith.cmpi ne, %convert_element_type3A_6, %cond3A_7 : i32
    scf.if %cond3A_8 {
      "tpu.region"() ({
        %run_scoped3A = tpu.sem_alloc : memref<!tpu.dma_semaphore, #tpu.memory_space<semaphore_mem>>
        %dma_start3A_45 = arith.constant 0 : i32
        %dma_start3A_46 = tpu.memref_slice %arg11[%mul3A_2, %dma_start3A_45] : memref<10240x128xf32, #tpu.memory_space<vmem_shared>> -> memref<640x128xf32, #tpu.memory_space<vmem_shared>>
        %dma_start3A_47 = arith.constant 0 : i32
        %dma_start3A_48 = tpu.memref_slice %arg3[%mul3A_2, %dma_start3A_47] : memref<10240x128xf32, #tpu.memory_space<hbm>> -> memref<640x128xf32, #tpu.memory_space<hbm>>
        tpu.enqueue_dma source(%dma_start3A_48 : memref<640x128xf32, #tpu.memory_space<hbm>>) target(%dma_start3A_46 : memref<640x128xf32, #tpu.memory_space<vmem_shared>>) target_semaphore(%run_scoped3A : memref<!tpu.dma_semaphore, #tpu.memory_space<semaphore_mem>>)
        %dma_wait3A = arith.constant 0 : i32
        %dma_wait3A_49 = tpu.memref_slice %arg11[%mul3A_2, %dma_wait3A] : memref<10240x128xf32, #tpu.memory_space<vmem_shared>> -> memref<640x128xf32, #tpu.memory_space<vmem_shared>>
        %dma_wait3A_50 = arith.constant 0 : i32
        %dma_wait3A_51 = tpu.memref_slice %arg3[%mul3A_2, %dma_wait3A_50] : memref<10240x128xf32, #tpu.memory_space<hbm>> -> memref<640x128xf32, #tpu.memory_space<hbm>>
        tpu.wait_dma2 semaphore(%run_scoped3A : memref<!tpu.dma_semaphore, #tpu.memory_space<semaphore_mem>>) src(%dma_wait3A_51 : memref<640x128xf32, #tpu.memory_space<hbm>>) dst(%dma_wait3A_49 : memref<640x128xf32, #tpu.memory_space<vmem_shared>>)
        tpu.yield
      }) : () -> ()
    } else {
    }
    %mul3A_9 = arith.constant 80 : i32
    %mul3A_10 = arith.muli %add3A, %mul3A_9 : i32
    "tpu.region"() ({
      %run_scoped3A = tpu.sem_alloc : memref<!tpu.dma_semaphore, #tpu.memory_space<semaphore_mem>>
      %dma_start3A_45 = arith.constant 0 : i32
      %dma_start3A_46 = tpu.memref_slice %arg4[%mul3A_10, %dma_start3A_45] : memref<2560x125xi32, #tpu.memory_space<hbm>> -> memref<40x125xi32, #tpu.memory_space<hbm>>
      %dma_start3A_47 = arith.constant 0 : i32
      %dma_start3A_48 = tpu.memref_slice %arg4[%mul3A_10, %dma_start3A_47] : memref<2560x125xi32, #tpu.memory_space<hbm>> -> memref<40x125xi32, #tpu.memory_space<hbm>>
      tpu.enqueue_dma source(%dma_start3A_48 : memref<40x125xi32, #tpu.memory_space<hbm>>) target(%arg7 : memref<40x125xi32, #tpu.memory_space<vmem>>) target_semaphore(%run_scoped3A : memref<!tpu.dma_semaphore, #tpu.memory_space<semaphore_mem>>)
      %dma_wait3A = arith.constant 0 : i32
      %dma_wait3A_49 = tpu.memref_slice %arg4[%mul3A_10, %dma_wait3A] : memref<2560x125xi32, #tpu.memory_space<hbm>> -> memref<40x125xi32, #tpu.memory_space<hbm>>
      %dma_wait3A_50 = arith.constant 0 : i32
      %dma_wait3A_51 = tpu.memref_slice %arg4[%mul3A_10, %dma_wait3A_50] : memref<2560x125xi32, #tpu.memory_space<hbm>> -> memref<40x125xi32, #tpu.memory_space<hbm>>
      tpu.wait_dma2 semaphore(%run_scoped3A : memref<!tpu.dma_semaphore, #tpu.memory_space<semaphore_mem>>) src(%dma_wait3A_51 : memref<40x125xi32, #tpu.memory_space<hbm>>) dst(%arg7 : memref<40x125xi32, #tpu.memory_space<vmem>>)
      tpu.yield
    }) : () -> ()
    %mul3A_11 = arith.constant 80 : i32
    %mul3A_12 = arith.muli %add3A, %mul3A_11 : i32
    "tpu.region"() ({
      %run_scoped3A = tpu.sem_alloc : memref<!tpu.dma_semaphore, #tpu.memory_space<semaphore_mem>>
      %dma_start3A_45 = arith.constant 0 : i32
      %dma_start3A_46 = tpu.memref_slice %arg5[%mul3A_12, %dma_start3A_45] : memref<2560x125xi32, #tpu.memory_space<hbm>> -> memref<40x125xi32, #tpu.memory_space<hbm>>
      %dma_start3A_47 = arith.constant 0 : i32
      %dma_start3A_48 = tpu.memref_slice %arg5[%mul3A_12, %dma_start3A_47] : memref<2560x125xi32, #tpu.memory_space<hbm>> -> memref<40x125xi32, #tpu.memory_space<hbm>>
      tpu.enqueue_dma source(%dma_start3A_48 : memref<40x125xi32, #tpu.memory_space<hbm>>) target(%arg8 : memref<40x125xi32, #tpu.memory_space<vmem>>) target_semaphore(%run_scoped3A : memref<!tpu.dma_semaphore, #tpu.memory_space<semaphore_mem>>)
      %dma_wait3A = arith.constant 0 : i32
      %dma_wait3A_49 = tpu.memref_slice %arg5[%mul3A_12, %dma_wait3A] : memref<2560x125xi32, #tpu.memory_space<hbm>> -> memref<40x125xi32, #tpu.memory_space<hbm>>
      %dma_wait3A_50 = arith.constant 0 : i32
      %dma_wait3A_51 = tpu.memref_slice %arg5[%mul3A_12, %dma_wait3A_50] : memref<2560x125xi32, #tpu.memory_space<hbm>> -> memref<40x125xi32, #tpu.memory_space<hbm>>
      tpu.wait_dma2 semaphore(%run_scoped3A : memref<!tpu.dma_semaphore, #tpu.memory_space<semaphore_mem>>) src(%dma_wait3A_51 : memref<40x125xi32, #tpu.memory_space<hbm>>) dst(%arg8 : memref<40x125xi32, #tpu.memory_space<vmem>>)
      tpu.yield
    }) : () -> ()
    %dma_start3A = arith.constant 0 : i32
    %dma_start3A_13 = arith.constant 0 : i32
    %dma_start3A_14 = tpu.memref_slice %arg7[%dma_start3A, %dma_start3A_13] : memref<40x125xi32, #tpu.memory_space<vmem>> -> memref<1x125xi32, #tpu.memory_space<vmem>>
    %dma_start3A_15 = tpu.memref_squeeze %dma_start3A_14 : memref<1x125xi32, #tpu.memory_space<vmem>> -> memref<125xi32, #tpu.memory_space<vmem>>
    %dma_start3A_16 = arith.constant 0 : i32
    %dma_start3A_17 = arith.constant 0 : i32
    %dma_start3A_18 = tpu.memref_slice %arg2[%dma_start3A_16, %dma_start3A_17] : memref<10240x128xf32, #tpu.memory_space<hbm>> -> memref<10240x128xf32, #tpu.memory_space<hbm>>
    tpu.enqueue_indirect_dma source(%dma_start3A_18 : memref<10240x128xf32, #tpu.memory_space<hbm>>) target(%arg9 : memref<125x128xf32, #tpu.memory_space<vmem>>) offsets(%dma_start3A_15 : memref<125xi32, #tpu.memory_space<vmem>>) semaphore(%arg12 : memref<!tpu.dma_semaphore, #tpu.memory_space<semaphore_mem>>)
    %barrier3A = arith.constant 0 : index
    tpu.barrier barrier_id(%barrier3A)
    %scan3A = arith.constant 0 : i32
    %scan3A_19 = arith.constant 0 : i32
    %scan3A_20 = arith.constant 20 : i32
    %scan3A_21 = arith.addi %scan3A_19, %scan3A_20 : i32
    %scan3A_22 = arith.constant 1 : i32
    scf.for %scan3A_45 = %scan3A_19 to %scan3A_21 step %scan3A_22  : i32 {
      %mul3A_46 = arith.constant 2 : i32
      %mul3A_47 = arith.muli %mul3A_46, %scan3A_45 : i32
      %add3A_48 = arith.constant 1 : i32
      %add3A_49 = arith.addi %mul3A_47, %add3A_48 : i32
      %dma_wait3A = arith.constant 0 : i32
      %dma_wait3A_50 = tpu.memref_slice %arg7[%mul3A_47, %dma_wait3A] : memref<40x125xi32, #tpu.memory_space<vmem>> -> memref<1x125xi32, #tpu.memory_space<vmem>>
      %dma_wait3A_51 = tpu.memref_squeeze %dma_wait3A_50 : memref<1x125xi32, #tpu.memory_space<vmem>> -> memref<125xi32, #tpu.memory_space<vmem>>
      %dma_wait3A_52 = arith.constant 0 : i32
      %dma_wait3A_53 = arith.constant 0 : i32
      %dma_wait3A_54 = tpu.memref_slice %arg2[%dma_wait3A_52, %dma_wait3A_53] : memref<10240x128xf32, #tpu.memory_space<hbm>> -> memref<10240x128xf32, #tpu.memory_space<hbm>>
      tpu.wait_indirect_dma semaphore(%arg12 : memref<!tpu.dma_semaphore, #tpu.memory_space<semaphore_mem>>) src(%dma_wait3A_54 : memref<10240x128xf32, #tpu.memory_space<hbm>>) dst(%arg9 : memref<125x128xf32, #tpu.memory_space<vmem>>)
      %dma_start3A_55 = arith.constant 0 : i32
      %dma_start3A_56 = tpu.memref_slice %arg7[%add3A_49, %dma_start3A_55] : memref<40x125xi32, #tpu.memory_space<vmem>> -> memref<1x125xi32, #tpu.memory_space<vmem>>
      %dma_start3A_57 = tpu.memref_squeeze %dma_start3A_56 : memref<1x125xi32, #tpu.memory_space<vmem>> -> memref<125xi32, #tpu.memory_space<vmem>>
      %dma_start3A_58 = arith.constant 0 : i32
      %dma_start3A_59 = arith.constant 0 : i32
      %dma_start3A_60 = tpu.memref_slice %arg2[%dma_start3A_58, %dma_start3A_59] : memref<10240x128xf32, #tpu.memory_space<hbm>> -> memref<10240x128xf32, #tpu.memory_space<hbm>>
      tpu.enqueue_indirect_dma source(%dma_start3A_60 : memref<10240x128xf32, #tpu.memory_space<hbm>>) target(%arg10 : memref<125x128xf32, #tpu.memory_space<vmem>>) offsets(%dma_start3A_57 : memref<125xi32, #tpu.memory_space<vmem>>) semaphore(%arg13 : memref<!tpu.dma_semaphore, #tpu.memory_space<semaphore_mem>>)
      "tpu.region"() ({
        %run_scoped3A = tpu.sem_alloc : memref<!tpu.dma_semaphore, #tpu.memory_space<semaphore_mem>>
        %dma_start3A_73 = arith.constant 0 : i32
        %dma_start3A_74 = tpu.memref_slice %arg8[%mul3A_47, %dma_start3A_73] : memref<40x125xi32, #tpu.memory_space<vmem>> -> memref<1x125xi32, #tpu.memory_space<vmem>>
        %dma_start3A_75 = tpu.memref_squeeze %dma_start3A_74 : memref<1x125xi32, #tpu.memory_space<vmem>> -> memref<125xi32, #tpu.memory_space<vmem>>
        %dma_start3A_76 = arith.constant 0 : i32
        %dma_start3A_77 = arith.constant 0 : i32
        %dma_start3A_78 = tpu.memref_slice %arg11[%dma_start3A_76, %dma_start3A_77] : memref<10240x128xf32, #tpu.memory_space<vmem_shared>> -> memref<10240x128xf32, #tpu.memory_space<vmem_shared>>
        tpu.enqueue_indirect_dma source(%arg9 : memref<125x128xf32, #tpu.memory_space<vmem>>) target(%dma_start3A_78 : memref<10240x128xf32, #tpu.memory_space<vmem_shared>>) offsets(%dma_start3A_75 : memref<125xi32, #tpu.memory_space<vmem>>) semaphore(%run_scoped3A : memref<!tpu.dma_semaphore, #tpu.memory_space<semaphore_mem>>) {add = true}
        %dma_wait3A_79 = arith.constant 0 : i32
        %dma_wait3A_80 = tpu.memref_slice %arg8[%mul3A_47, %dma_wait3A_79] : memref<40x125xi32, #tpu.memory_space<vmem>> -> memref<1x125xi32, #tpu.memory_space<vmem>>
        %dma_wait3A_81 = tpu.memref_squeeze %dma_wait3A_80 : memref<1x125xi32, #tpu.memory_space<vmem>> -> memref<125xi32, #tpu.memory_space<vmem>>
        %dma_wait3A_82 = arith.constant 0 : i32
        %dma_wait3A_83 = arith.constant 0 : i32
        %dma_wait3A_84 = tpu.memref_slice %arg11[%dma_wait3A_82, %dma_wait3A_83] : memref<10240x128xf32, #tpu.memory_space<vmem_shared>> -> memref<10240x128xf32, #tpu.memory_space<vmem_shared>>
        tpu.wait_indirect_dma semaphore(%run_scoped3A : memref<!tpu.dma_semaphore, #tpu.memory_space<semaphore_mem>>) src(%arg9 : memref<125x128xf32, #tpu.memory_space<vmem>>) dst(%dma_wait3A_84 : memref<10240x128xf32, #tpu.memory_space<vmem_shared>>)
        tpu.yield
      }) : () -> ()
      %dma_wait3A_61 = arith.constant 0 : i32
      %dma_wait3A_62 = tpu.memref_slice %arg7[%add3A_49, %dma_wait3A_61] : memref<40x125xi32, #tpu.memory_space<vmem>> -> memref<1x125xi32, #tpu.memory_space<vmem>>
      %dma_wait3A_63 = tpu.memref_squeeze %dma_wait3A_62 : memref<1x125xi32, #tpu.memory_space<vmem>> -> memref<125xi32, #tpu.memory_space<vmem>>
      %dma_wait3A_64 = arith.constant 0 : i32
      %dma_wait3A_65 = arith.constant 0 : i32
      %dma_wait3A_66 = tpu.memref_slice %arg2[%dma_wait3A_64, %dma_wait3A_65] : memref<10240x128xf32, #tpu.memory_space<hbm>> -> memref<10240x128xf32, #tpu.memory_space<hbm>>
      tpu.wait_indirect_dma semaphore(%arg13 : memref<!tpu.dma_semaphore, #tpu.memory_space<semaphore_mem>>) src(%dma_wait3A_66 : memref<10240x128xf32, #tpu.memory_space<hbm>>) dst(%arg10 : memref<125x128xf32, #tpu.memory_space<vmem>>)
      %add3A_67 = arith.constant 2 : i32
      %add3A_68 = arith.addi %mul3A_47, %add3A_67 : i32
      %lt3A = arith.constant 40 : i32
      %lt3A_69 = arith.cmpi slt, %add3A_68, %lt3A : i32
      %convert_element_type3A_70 = arith.extui %lt3A_69 : i1 to i32
      %cond3A_71 = arith.constant 0 : i32
      %cond3A_72 = arith.cmpi ne, %convert_element_type3A_70, %cond3A_71 : i32
      scf.if %cond3A_72 {
        %add3A_73 = arith.constant 2 : i32
        %add3A_74 = arith.addi %mul3A_47, %add3A_73 : i32
        %dma_start3A_75 = arith.constant 0 : i32
        %dma_start3A_76 = tpu.memref_slice %arg7[%add3A_74, %dma_start3A_75] : memref<40x125xi32, #tpu.memory_space<vmem>> -> memref<1x125xi32, #tpu.memory_space<vmem>>
        %dma_start3A_77 = tpu.memref_squeeze %dma_start3A_76 : memref<1x125xi32, #tpu.memory_space<vmem>> -> memref<125xi32, #tpu.memory_space<vmem>>
        %dma_start3A_78 = arith.constant 0 : i32
        %dma_start3A_79 = arith.constant 0 : i32
        %dma_start3A_80 = tpu.memref_slice %arg2[%dma_start3A_78, %dma_start3A_79] : memref<10240x128xf32, #tpu.memory_space<hbm>> -> memref<10240x128xf32, #tpu.memory_space<hbm>>
        tpu.enqueue_indirect_dma source(%dma_start3A_80 : memref<10240x128xf32, #tpu.memory_space<hbm>>) target(%arg9 : memref<125x128xf32, #tpu.memory_space<vmem>>) offsets(%dma_start3A_77 : memref<125xi32, #tpu.memory_space<vmem>>) semaphore(%arg12 : memref<!tpu.dma_semaphore, #tpu.memory_space<semaphore_mem>>)
      } else {
      }
      "tpu.region"() ({
        %run_scoped3A = tpu.sem_alloc : memref<!tpu.dma_semaphore, #tpu.memory_space<semaphore_mem>>
        %dma_start3A_73 = arith.constant 0 : i32
        %dma_start3A_74 = tpu.memref_slice %arg8[%add3A_49, %dma_start3A_73] : memref<40x125xi32, #tpu.memory_space<vmem>> -> memref<1x125xi32, #tpu.memory_space<vmem>>
        %dma_start3A_75 = tpu.memref_squeeze %dma_start3A_74 : memref<1x125xi32, #tpu.memory_space<vmem>> -> memref<125xi32, #tpu.memory_space<vmem>>
        %dma_start3A_76 = arith.constant 0 : i32
        %dma_start3A_77 = arith.constant 0 : i32
        %dma_start3A_78 = tpu.memref_slice %arg11[%dma_start3A_76, %dma_start3A_77] : memref<10240x128xf32, #tpu.memory_space<vmem_shared>> -> memref<10240x128xf32, #tpu.memory_space<vmem_shared>>
        tpu.enqueue_indirect_dma source(%arg10 : memref<125x128xf32, #tpu.memory_space<vmem>>) target(%dma_start3A_78 : memref<10240x128xf32, #tpu.memory_space<vmem_shared>>) offsets(%dma_start3A_75 : memref<125xi32, #tpu.memory_space<vmem>>) semaphore(%run_scoped3A : memref<!tpu.dma_semaphore, #tpu.memory_space<semaphore_mem>>) {add = true}
        %dma_wait3A_79 = arith.constant 0 : i32
        %dma_wait3A_80 = tpu.memref_slice %arg8[%add3A_49, %dma_wait3A_79] : memref<40x125xi32, #tpu.memory_space<vmem>> -> memref<1x125xi32, #tpu.memory_space<vmem>>
        %dma_wait3A_81 = tpu.memref_squeeze %dma_wait3A_80 : memref<1x125xi32, #tpu.memory_space<vmem>> -> memref<125xi32, #tpu.memory_space<vmem>>
        %dma_wait3A_82 = arith.constant 0 : i32
        %dma_wait3A_83 = arith.constant 0 : i32
        %dma_wait3A_84 = tpu.memref_slice %arg11[%dma_wait3A_82, %dma_wait3A_83] : memref<10240x128xf32, #tpu.memory_space<vmem_shared>> -> memref<10240x128xf32, #tpu.memory_space<vmem_shared>>
        tpu.wait_indirect_dma semaphore(%run_scoped3A : memref<!tpu.dma_semaphore, #tpu.memory_space<semaphore_mem>>) src(%arg10 : memref<125x128xf32, #tpu.memory_space<vmem>>) dst(%dma_wait3A_84 : memref<10240x128xf32, #tpu.memory_space<vmem_shared>>)
        tpu.yield
      }) : () -> ()
    }
    %scan3A_23 = arith.constant 20 : i32
    %mul3A_24 = arith.constant 80 : i32
    %mul3A_25 = arith.muli %add3A, %mul3A_24 : i32
    %add3A_26 = arith.constant 40 : i32
    %add3A_27 = arith.addi %mul3A_25, %add3A_26 : i32
    "tpu.region"() ({
      %run_scoped3A = tpu.sem_alloc : memref<!tpu.dma_semaphore, #tpu.memory_space<semaphore_mem>>
      %dma_start3A_45 = arith.constant 0 : i32
      %dma_start3A_46 = tpu.memref_slice %arg4[%add3A_27, %dma_start3A_45] : memref<2560x125xi32, #tpu.memory_space<hbm>> -> memref<40x125xi32, #tpu.memory_space<hbm>>
      %dma_start3A_47 = arith.constant 0 : i32
      %dma_start3A_48 = tpu.memref_slice %arg4[%add3A_27, %dma_start3A_47] : memref<2560x125xi32, #tpu.memory_space<hbm>> -> memref<40x125xi32, #tpu.memory_space<hbm>>
      tpu.enqueue_dma source(%dma_start3A_48 : memref<40x125xi32, #tpu.memory_space<hbm>>) target(%arg7 : memref<40x125xi32, #tpu.memory_space<vmem>>) target_semaphore(%run_scoped3A : memref<!tpu.dma_semaphore, #tpu.memory_space<semaphore_mem>>)
      %dma_wait3A = arith.constant 0 : i32
      %dma_wait3A_49 = tpu.memref_slice %arg4[%add3A_27, %dma_wait3A] : memref<2560x125xi32, #tpu.memory_space<hbm>> -> memref<40x125xi32, #tpu.memory_space<hbm>>
      %dma_wait3A_50 = arith.constant 0 : i32
      %dma_wait3A_51 = tpu.memref_slice %arg4[%add3A_27, %dma_wait3A_50] : memref<2560x125xi32, #tpu.memory_space<hbm>> -> memref<40x125xi32, #tpu.memory_space<hbm>>
      tpu.wait_dma2 semaphore(%run_scoped3A : memref<!tpu.dma_semaphore, #tpu.memory_space<semaphore_mem>>) src(%dma_wait3A_51 : memref<40x125xi32, #tpu.memory_space<hbm>>) dst(%arg7 : memref<40x125xi32, #tpu.memory_space<vmem>>)
      tpu.yield
    }) : () -> ()
    "tpu.region"() ({
      %run_scoped3A = tpu.sem_alloc : memref<!tpu.dma_semaphore, #tpu.memory_space<semaphore_mem>>
      %dma_start3A_45 = arith.constant 0 : i32
      %dma_start3A_46 = tpu.memref_slice %arg5[%add3A_27, %dma_start3A_45] : memref<2560x125xi32, #tpu.memory_space<hbm>> -> memref<40x125xi32, #tpu.memory_space<hbm>>
      %dma_start3A_47 = arith.constant 0 : i32
      %dma_start3A_48 = tpu.memref_slice %arg5[%add3A_27, %dma_start3A_47] : memref<2560x125xi32, #tpu.memory_space<hbm>> -> memref<40x125xi32, #tpu.memory_space<hbm>>
      tpu.enqueue_dma source(%dma_start3A_48 : memref<40x125xi32, #tpu.memory_space<hbm>>) target(%arg8 : memref<40x125xi32, #tpu.memory_space<vmem>>) target_semaphore(%run_scoped3A : memref<!tpu.dma_semaphore, #tpu.memory_space<semaphore_mem>>)
      %dma_wait3A = arith.constant 0 : i32
      %dma_wait3A_49 = tpu.memref_slice %arg5[%add3A_27, %dma_wait3A] : memref<2560x125xi32, #tpu.memory_space<hbm>> -> memref<40x125xi32, #tpu.memory_space<hbm>>
      %dma_wait3A_50 = arith.constant 0 : i32
      %dma_wait3A_51 = tpu.memref_slice %arg5[%add3A_27, %dma_wait3A_50] : memref<2560x125xi32, #tpu.memory_space<hbm>> -> memref<40x125xi32, #tpu.memory_space<hbm>>
      tpu.wait_dma2 semaphore(%run_scoped3A : memref<!tpu.dma_semaphore, #tpu.memory_space<semaphore_mem>>) src(%dma_wait3A_51 : memref<40x125xi32, #tpu.memory_space<hbm>>) dst(%arg8 : memref<40x125xi32, #tpu.memory_space<vmem>>)
      tpu.yield
    }) : () -> ()
    %dma_start3A_28 = arith.constant 0 : i32
    %dma_start3A_29 = arith.constant 0 : i32
    %dma_start3A_30 = tpu.memref_slice %arg7[%dma_start3A_28, %dma_start3A_29] : memref<40x125xi32, #tpu.memory_space<vmem>> -> memref<1x125xi32, #tpu.memory_space<vmem>>
    %dma_start3A_31 = tpu.memref_squeeze %dma_start3A_30 : memref<1x125xi32, #tpu.memory_space<vmem>> -> memref<125xi32, #tpu.memory_space<vmem>>
    %dma_start3A_32 = arith.constant 0 : i32
    %dma_start3A_33 = arith.constant 0 : i32
    %dma_start3A_34 = tpu.memref_slice %arg2[%dma_start3A_32, %dma_start3A_33] : memref<10240x128xf32, #tpu.memory_space<hbm>> -> memref<10240x128xf32, #tpu.memory_space<hbm>>
    tpu.enqueue_indirect_dma source(%dma_start3A_34 : memref<10240x128xf32, #tpu.memory_space<hbm>>) target(%arg9 : memref<125x128xf32, #tpu.memory_space<vmem>>) offsets(%dma_start3A_31 : memref<125xi32, #tpu.memory_space<vmem>>) semaphore(%arg12 : memref<!tpu.dma_semaphore, #tpu.memory_space<semaphore_mem>>)
    %scan3A_35 = arith.constant 0 : i32
    %scan3A_36 = arith.constant 0 : i32
    %scan3A_37 = arith.constant 20 : i32
    %scan3A_38 = arith.addi %scan3A_36, %scan3A_37 : i32
    %scan3A_39 = arith.constant 1 : i32
    scf.for %scan3A_45 = %scan3A_36 to %scan3A_38 step %scan3A_39  : i32 {
      %mul3A_46 = arith.constant 2 : i32
      %mul3A_47 = arith.muli %mul3A_46, %scan3A_45 : i32
      %add3A_48 = arith.constant 1 : i32
      %add3A_49 = arith.addi %mul3A_47, %add3A_48 : i32
      %dma_wait3A = arith.constant 0 : i32
      %dma_wait3A_50 = tpu.memref_slice %arg7[%mul3A_47, %dma_wait3A] : memref<40x125xi32, #tpu.memory_space<vmem>> -> memref<1x125xi32, #tpu.memory_space<vmem>>
      %dma_wait3A_51 = tpu.memref_squeeze %dma_wait3A_50 : memref<1x125xi32, #tpu.memory_space<vmem>> -> memref<125xi32, #tpu.memory_space<vmem>>
      %dma_wait3A_52 = arith.constant 0 : i32
      %dma_wait3A_53 = arith.constant 0 : i32
      %dma_wait3A_54 = tpu.memref_slice %arg2[%dma_wait3A_52, %dma_wait3A_53] : memref<10240x128xf32, #tpu.memory_space<hbm>> -> memref<10240x128xf32, #tpu.memory_space<hbm>>
      tpu.wait_indirect_dma semaphore(%arg12 : memref<!tpu.dma_semaphore, #tpu.memory_space<semaphore_mem>>) src(%dma_wait3A_54 : memref<10240x128xf32, #tpu.memory_space<hbm>>) dst(%arg9 : memref<125x128xf32, #tpu.memory_space<vmem>>)
      %dma_start3A_55 = arith.constant 0 : i32
      %dma_start3A_56 = tpu.memref_slice %arg7[%add3A_49, %dma_start3A_55] : memref<40x125xi32, #tpu.memory_space<vmem>> -> memref<1x125xi32, #tpu.memory_space<vmem>>
      %dma_start3A_57 = tpu.memref_squeeze %dma_start3A_56 : memref<1x125xi32, #tpu.memory_space<vmem>> -> memref<125xi32, #tpu.memory_space<vmem>>
      %dma_start3A_58 = arith.constant 0 : i32
      %dma_start3A_59 = arith.constant 0 : i32
      %dma_start3A_60 = tpu.memref_slice %arg2[%dma_start3A_58, %dma_start3A_59] : memref<10240x128xf32, #tpu.memory_space<hbm>> -> memref<10240x128xf32, #tpu.memory_space<hbm>>
      tpu.enqueue_indirect_dma source(%dma_start3A_60 : memref<10240x128xf32, #tpu.memory_space<hbm>>) target(%arg10 : memref<125x128xf32, #tpu.memory_space<vmem>>) offsets(%dma_start3A_57 : memref<125xi32, #tpu.memory_space<vmem>>) semaphore(%arg13 : memref<!tpu.dma_semaphore, #tpu.memory_space<semaphore_mem>>)
      "tpu.region"() ({
        %run_scoped3A = tpu.sem_alloc : memref<!tpu.dma_semaphore, #tpu.memory_space<semaphore_mem>>
        %dma_start3A_73 = arith.constant 0 : i32
        %dma_start3A_74 = tpu.memref_slice %arg8[%mul3A_47, %dma_start3A_73] : memref<40x125xi32, #tpu.memory_space<vmem>> -> memref<1x125xi32, #tpu.memory_space<vmem>>
        %dma_start3A_75 = tpu.memref_squeeze %dma_start3A_74 : memref<1x125xi32, #tpu.memory_space<vmem>> -> memref<125xi32, #tpu.memory_space<vmem>>
        %dma_start3A_76 = arith.constant 0 : i32
        %dma_start3A_77 = arith.constant 0 : i32
        %dma_start3A_78 = tpu.memref_slice %arg11[%dma_start3A_76, %dma_start3A_77] : memref<10240x128xf32, #tpu.memory_space<vmem_shared>> -> memref<10240x128xf32, #tpu.memory_space<vmem_shared>>
        tpu.enqueue_indirect_dma source(%arg9 : memref<125x128xf32, #tpu.memory_space<vmem>>) target(%dma_start3A_78 : memref<10240x128xf32, #tpu.memory_space<vmem_shared>>) offsets(%dma_start3A_75 : memref<125xi32, #tpu.memory_space<vmem>>) semaphore(%run_scoped3A : memref<!tpu.dma_semaphore, #tpu.memory_space<semaphore_mem>>) {add = true}
        %dma_wait3A_79 = arith.constant 0 : i32
        %dma_wait3A_80 = tpu.memref_slice %arg8[%mul3A_47, %dma_wait3A_79] : memref<40x125xi32, #tpu.memory_space<vmem>> -> memref<1x125xi32, #tpu.memory_space<vmem>>
        %dma_wait3A_81 = tpu.memref_squeeze %dma_wait3A_80 : memref<1x125xi32, #tpu.memory_space<vmem>> -> memref<125xi32, #tpu.memory_space<vmem>>
        %dma_wait3A_82 = arith.constant 0 : i32
        %dma_wait3A_83 = arith.constant 0 : i32
        %dma_wait3A_84 = tpu.memref_slice %arg11[%dma_wait3A_82, %dma_wait3A_83] : memref<10240x128xf32, #tpu.memory_space<vmem_shared>> -> memref<10240x128xf32, #tpu.memory_space<vmem_shared>>
        tpu.wait_indirect_dma semaphore(%run_scoped3A : memref<!tpu.dma_semaphore, #tpu.memory_space<semaphore_mem>>) src(%arg9 : memref<125x128xf32, #tpu.memory_space<vmem>>) dst(%dma_wait3A_84 : memref<10240x128xf32, #tpu.memory_space<vmem_shared>>)
        tpu.yield
      }) : () -> ()
      %dma_wait3A_61 = arith.constant 0 : i32
      %dma_wait3A_62 = tpu.memref_slice %arg7[%add3A_49, %dma_wait3A_61] : memref<40x125xi32, #tpu.memory_space<vmem>> -> memref<1x125xi32, #tpu.memory_space<vmem>>
      %dma_wait3A_63 = tpu.memref_squeeze %dma_wait3A_62 : memref<1x125xi32, #tpu.memory_space<vmem>> -> memref<125xi32, #tpu.memory_space<vmem>>
      %dma_wait3A_64 = arith.constant 0 : i32
      %dma_wait3A_65 = arith.constant 0 : i32
      %dma_wait3A_66 = tpu.memref_slice %arg2[%dma_wait3A_64, %dma_wait3A_65] : memref<10240x128xf32, #tpu.memory_space<hbm>> -> memref<10240x128xf32, #tpu.memory_space<hbm>>
      tpu.wait_indirect_dma semaphore(%arg13 : memref<!tpu.dma_semaphore, #tpu.memory_space<semaphore_mem>>) src(%dma_wait3A_66 : memref<10240x128xf32, #tpu.memory_space<hbm>>) dst(%arg10 : memref<125x128xf32, #tpu.memory_space<vmem>>)
      %add3A_67 = arith.constant 2 : i32
      %add3A_68 = arith.addi %mul3A_47, %add3A_67 : i32
      %lt3A = arith.constant 40 : i32
      %lt3A_69 = arith.cmpi slt, %add3A_68, %lt3A : i32
      %convert_element_type3A_70 = arith.extui %lt3A_69 : i1 to i32
      %cond3A_71 = arith.constant 0 : i32
      %cond3A_72 = arith.cmpi ne, %convert_element_type3A_70, %cond3A_71 : i32
      scf.if %cond3A_72 {
        %add3A_73 = arith.constant 2 : i32
        %add3A_74 = arith.addi %mul3A_47, %add3A_73 : i32
        %dma_start3A_75 = arith.constant 0 : i32
        %dma_start3A_76 = tpu.memref_slice %arg7[%add3A_74, %dma_start3A_75] : memref<40x125xi32, #tpu.memory_space<vmem>> -> memref<1x125xi32, #tpu.memory_space<vmem>>
        %dma_start3A_77 = tpu.memref_squeeze %dma_start3A_76 : memref<1x125xi32, #tpu.memory_space<vmem>> -> memref<125xi32, #tpu.memory_space<vmem>>
        %dma_start3A_78 = arith.constant 0 : i32
        %dma_start3A_79 = arith.constant 0 : i32
        %dma_start3A_80 = tpu.memref_slice %arg2[%dma_start3A_78, %dma_start3A_79] : memref<10240x128xf32, #tpu.memory_space<hbm>> -> memref<10240x128xf32, #tpu.memory_space<hbm>>
        tpu.enqueue_indirect_dma source(%dma_start3A_80 : memref<10240x128xf32, #tpu.memory_space<hbm>>) target(%arg9 : memref<125x128xf32, #tpu.memory_space<vmem>>) offsets(%dma_start3A_77 : memref<125xi32, #tpu.memory_space<vmem>>) semaphore(%arg12 : memref<!tpu.dma_semaphore, #tpu.memory_space<semaphore_mem>>)
      } else {
      }
      "tpu.region"() ({
        %run_scoped3A = tpu.sem_alloc : memref<!tpu.dma_semaphore, #tpu.memory_space<semaphore_mem>>
        %dma_start3A_73 = arith.constant 0 : i32
        %dma_start3A_74 = tpu.memref_slice %arg8[%add3A_49, %dma_start3A_73] : memref<40x125xi32, #tpu.memory_space<vmem>> -> memref<1x125xi32, #tpu.memory_space<vmem>>
        %dma_start3A_75 = tpu.memref_squeeze %dma_start3A_74 : memref<1x125xi32, #tpu.memory_space<vmem>> -> memref<125xi32, #tpu.memory_space<vmem>>
        %dma_start3A_76 = arith.constant 0 : i32
        %dma_start3A_77 = arith.constant 0 : i32
        %dma_start3A_78 = tpu.memref_slice %arg11[%dma_start3A_76, %dma_start3A_77] : memref<10240x128xf32, #tpu.memory_space<vmem_shared>> -> memref<10240x128xf32, #tpu.memory_space<vmem_shared>>
        tpu.enqueue_indirect_dma source(%arg10 : memref<125x128xf32, #tpu.memory_space<vmem>>) target(%dma_start3A_78 : memref<10240x128xf32, #tpu.memory_space<vmem_shared>>) offsets(%dma_start3A_75 : memref<125xi32, #tpu.memory_space<vmem>>) semaphore(%run_scoped3A : memref<!tpu.dma_semaphore, #tpu.memory_space<semaphore_mem>>) {add = true}
        %dma_wait3A_79 = arith.constant 0 : i32
        %dma_wait3A_80 = tpu.memref_slice %arg8[%add3A_49, %dma_wait3A_79] : memref<40x125xi32, #tpu.memory_space<vmem>> -> memref<1x125xi32, #tpu.memory_space<vmem>>
        %dma_wait3A_81 = tpu.memref_squeeze %dma_wait3A_80 : memref<1x125xi32, #tpu.memory_space<vmem>> -> memref<125xi32, #tpu.memory_space<vmem>>
        %dma_wait3A_82 = arith.constant 0 : i32
        %dma_wait3A_83 = arith.constant 0 : i32
        %dma_wait3A_84 = tpu.memref_slice %arg11[%dma_wait3A_82, %dma_wait3A_83] : memref<10240x128xf32, #tpu.memory_space<vmem_shared>> -> memref<10240x128xf32, #tpu.memory_space<vmem_shared>>
        tpu.wait_indirect_dma semaphore(%run_scoped3A : memref<!tpu.dma_semaphore, #tpu.memory_space<semaphore_mem>>) src(%arg10 : memref<125x128xf32, #tpu.memory_space<vmem>>) dst(%dma_wait3A_84 : memref<10240x128xf32, #tpu.memory_space<vmem_shared>>)
        tpu.yield
      }) : () -> ()
    }
    %scan3A_40 = arith.constant 20 : i32
    %barrier3A_41 = arith.constant 0 : index
    tpu.barrier barrier_id(%barrier3A_41)
    %mul3A_42 = arith.constant 10240 : i32
    %mul3A_43 = arith.muli %arg0, %mul3A_42 : i32
    %add3A_44 = arith.addi %mul3A_43, %mul3A_2 : i32
    "tpu.region"() ({
      %run_scoped3A = tpu.sem_alloc : memref<!tpu.dma_semaphore, #tpu.memory_space<semaphore_mem>>
      %dma_start3A_45 = arith.constant 0 : i32
      %dma_start3A_46 = tpu.memref_slice %arg6[%add3A_44, %dma_start3A_45] : memref<20480x128xf32, #tpu.memory_space<hbm>> -> memref<640x128xf32, #tpu.memory_space<hbm>>
      %dma_start3A_47 = arith.constant 0 : i32
      %dma_start3A_48 = tpu.memref_slice %arg11[%mul3A_2, %dma_start3A_47] : memref<10240x128xf32, #tpu.memory_space<vmem_shared>> -> memref<640x128xf32, #tpu.memory_space<vmem_shared>>
      tpu.enqueue_dma source(%dma_start3A_48 : memref<640x128xf32, #tpu.memory_space<vmem_shared>>) target(%dma_start3A_46 : memref<640x128xf32, #tpu.memory_space<hbm>>) target_semaphore(%run_scoped3A : memref<!tpu.dma_semaphore, #tpu.memory_space<semaphore_mem>>)
      %dma_wait3A = arith.constant 0 : i32
      %dma_wait3A_49 = tpu.memref_slice %arg6[%add3A_44, %dma_wait3A] : memref<20480x128xf32, #tpu.memory_space<hbm>> -> memref<640x128xf32, #tpu.memory_space<hbm>>
      %dma_wait3A_50 = arith.constant 0 : i32
      %dma_wait3A_51 = tpu.memref_slice %arg11[%mul3A_2, %dma_wait3A_50] : memref<10240x128xf32, #tpu.memory_space<vmem_shared>> -> memref<640x128xf32, #tpu.memory_space<vmem_shared>>
      tpu.wait_dma2 semaphore(%run_scoped3A : memref<!tpu.dma_semaphore, #tpu.memory_space<semaphore_mem>>) src(%dma_wait3A_51 : memref<640x128xf32, #tpu.memory_space<vmem_shared>>) dst(%dma_wait3A_49 : memref<640x128xf32, #tpu.memory_space<hbm>>)
      tpu.yield
    }) : () -> ()
    return
  }
}

#map = affine_map<(d0, d1) -> (0, 0)>
module attributes {stable_mosaic.version = 14 : i64} {
  func.func @segsum(%arg0: i32, %arg1: i32, %arg2: memref<10000x128xf32, #tpu.memory_space<hbm>>, %arg3: memref<10240x128xf32, #tpu.memory_space<hbm>>, %arg4: memref<2560x125xi32, #tpu.memory_space<hbm>>, %arg5: memref<2560x125xi32, #tpu.memory_space<hbm>>, %arg6: memref<20480x128xf32, #tpu.memory_space<hbm>>, %arg7: memref<40x125xi32, #tpu.memory_space<vmem>>, %arg8: memref<40x125xi32, #tpu.memory_space<vmem>>, %arg9: memref<125x128xf32, #tpu.memory_space<vmem>>, %arg10: memref<125x128xf32, #tpu.memory_space<vmem>>, %arg11: memref<10240x128xf32, #tpu.memory_space<vmem_shared>>, %arg12: memref<!tpu.dma_semaphore, #tpu.memory_space<semaphore_mem>>, %arg13: memref<!tpu.dma_semaphore, #tpu.memory_space<semaphore_mem>>) attributes {dimension_semantics = [#tpu.dimension_semantics<core_parallel>, #tpu.dimension_semantics<subcore_parallel>], iteration_bounds = array<i64: 2, 16>, scalar_prefetch = 0 : i64, scratch_operands = 7 : i64, tpu.core_type = #tpu.core_type<sc_vector_subcore>, window_params = [{transform_indices = #map}, {transform_indices = #map}, {transform_indices = #map}, {transform_indices = #map}, {transform_indices = #map}]} {
    %mul3A = arith.constant 16 : i32
    %mul3A_0 = arith.muli %arg0, %mul3A : i32
    %add3A = arith.addi %mul3A_0, %arg1 : i32
    %mul3A_1 = arith.constant 640 : i32
    %mul3A_2 = arith.muli %arg1, %mul3A_1 : i32
    %eq3A = arith.constant 0 : i32
    %eq3A_3 = arith.cmpi eq, %arg0, %eq3A : i32
    %lt3A = arith.constant 15 : i32
    %lt3A_4 = arith.cmpi slt, %arg1, %lt3A : i32
    %and3A = arith.andi %eq3A_3, %lt3A_4 : i1
    %convert_element_type3A = arith.extui %and3A : i1 to i32
    %cond3A = arith.constant 0 : i32
    %cond3A_5 = arith.cmpi ne, %convert_element_type3A, %cond3A : i32
    scf.if %cond3A_5 {
      "tpu.region"() ({
        %run_scoped3A = tpu.sem_alloc : memref<!tpu.dma_semaphore, #tpu.memory_space<semaphore_mem>>
        %dma_start3A_54 = arith.constant 0 : i32
        %dma_start3A_55 = tpu.memref_slice %arg11[%mul3A_2, %dma_start3A_54] : memref<10240x128xf32, #tpu.memory_space<vmem_shared>> -> memref<640x128xf32, #tpu.memory_space<vmem_shared>>
        %dma_start3A_56 = arith.constant 0 : i32
        %dma_start3A_57 = tpu.memref_slice %arg2[%mul3A_2, %dma_start3A_56] : memref<10000x128xf32, #tpu.memory_space<hbm>> -> memref<640x128xf32, #tpu.memory_space<hbm>>
        tpu.enqueue_dma source(%dma_start3A_57 : memref<640x128xf32, #tpu.memory_space<hbm>>) target(%dma_start3A_55 : memref<640x128xf32, #tpu.memory_space<vmem_shared>>) target_semaphore(%run_scoped3A : memref<!tpu.dma_semaphore, #tpu.memory_space<semaphore_mem>>)
        %dma_wait3A = arith.constant 0 : i32
        %dma_wait3A_58 = tpu.memref_slice %arg11[%mul3A_2, %dma_wait3A] : memref<10240x128xf32, #tpu.memory_space<vmem_shared>> -> memref<640x128xf32, #tpu.memory_space<vmem_shared>>
        %dma_wait3A_59 = arith.constant 0 : i32
        %dma_wait3A_60 = tpu.memref_slice %arg2[%mul3A_2, %dma_wait3A_59] : memref<10000x128xf32, #tpu.memory_space<hbm>> -> memref<640x128xf32, #tpu.memory_space<hbm>>
        tpu.wait_dma2 semaphore(%run_scoped3A : memref<!tpu.dma_semaphore, #tpu.memory_space<semaphore_mem>>) src(%dma_wait3A_60 : memref<640x128xf32, #tpu.memory_space<hbm>>) dst(%dma_wait3A_58 : memref<640x128xf32, #tpu.memory_space<vmem_shared>>)
        tpu.yield
      }) : () -> ()
    } else {
    }
    %eq3A_6 = arith.constant 0 : i32
    %eq3A_7 = arith.cmpi eq, %arg0, %eq3A_6 : i32
    %eq3A_8 = arith.constant 15 : i32
    %eq3A_9 = arith.cmpi eq, %arg1, %eq3A_8 : i32
    %and3A_10 = arith.andi %eq3A_7, %eq3A_9 : i1
    %convert_element_type3A_11 = arith.extui %and3A_10 : i1 to i32
    %cond3A_12 = arith.constant 0 : i32
    %cond3A_13 = arith.cmpi ne, %convert_element_type3A_11, %cond3A_12 : i32
    scf.if %cond3A_13 {
      "tpu.region"() ({
        %run_scoped3A = tpu.sem_alloc : memref<!tpu.dma_semaphore, #tpu.memory_space<semaphore_mem>>
        %dma_start3A_54 = arith.constant 9600 : i32
        %dma_start3A_55 = arith.constant 0 : i32
        %dma_start3A_56 = tpu.memref_slice %arg11[%dma_start3A_54, %dma_start3A_55] : memref<10240x128xf32, #tpu.memory_space<vmem_shared>> -> memref<400x128xf32, #tpu.memory_space<vmem_shared>>
        %dma_start3A_57 = arith.constant 9600 : i32
        %dma_start3A_58 = arith.constant 0 : i32
        %dma_start3A_59 = tpu.memref_slice %arg2[%dma_start3A_57, %dma_start3A_58] : memref<10000x128xf32, #tpu.memory_space<hbm>> -> memref<400x128xf32, #tpu.memory_space<hbm>>
        tpu.enqueue_dma source(%dma_start3A_59 : memref<400x128xf32, #tpu.memory_space<hbm>>) target(%dma_start3A_56 : memref<400x128xf32, #tpu.memory_space<vmem_shared>>) target_semaphore(%run_scoped3A : memref<!tpu.dma_semaphore, #tpu.memory_space<semaphore_mem>>)
        %dma_wait3A = arith.constant 9600 : i32
        %dma_wait3A_60 = arith.constant 0 : i32
        %dma_wait3A_61 = tpu.memref_slice %arg11[%dma_wait3A, %dma_wait3A_60] : memref<10240x128xf32, #tpu.memory_space<vmem_shared>> -> memref<400x128xf32, #tpu.memory_space<vmem_shared>>
        %dma_wait3A_62 = arith.constant 9600 : i32
        %dma_wait3A_63 = arith.constant 0 : i32
        %dma_wait3A_64 = tpu.memref_slice %arg2[%dma_wait3A_62, %dma_wait3A_63] : memref<10000x128xf32, #tpu.memory_space<hbm>> -> memref<400x128xf32, #tpu.memory_space<hbm>>
        tpu.wait_dma2 semaphore(%run_scoped3A : memref<!tpu.dma_semaphore, #tpu.memory_space<semaphore_mem>>) src(%dma_wait3A_64 : memref<400x128xf32, #tpu.memory_space<hbm>>) dst(%dma_wait3A_61 : memref<400x128xf32, #tpu.memory_space<vmem_shared>>)
        tpu.yield
      }) : () -> ()
    } else {
    }
    %ne3A = arith.constant 0 : i32
    %ne3A_14 = arith.cmpi ne, %arg0, %ne3A : i32
    %convert_element_type3A_15 = arith.extui %ne3A_14 : i1 to i32
    %cond3A_16 = arith.constant 0 : i32
    %cond3A_17 = arith.cmpi ne, %convert_element_type3A_15, %cond3A_16 : i32
    scf.if %cond3A_17 {
      "tpu.region"() ({
        %run_scoped3A = tpu.sem_alloc : memref<!tpu.dma_semaphore, #tpu.memory_space<semaphore_mem>>
        %dma_start3A_54 = arith.constant 0 : i32
        %dma_start3A_55 = tpu.memref_slice %arg11[%mul3A_2, %dma_start3A_54] : memref<10240x128xf32, #tpu.memory_space<vmem_shared>> -> memref<640x128xf32, #tpu.memory_space<vmem_shared>>
        %dma_start3A_56 = arith.constant 0 : i32
        %dma_start3A_57 = tpu.memref_slice %arg3[%mul3A_2, %dma_start3A_56] : memref<10240x128xf32, #tpu.memory_space<hbm>> -> memref<640x128xf32, #tpu.memory_space<hbm>>
        tpu.enqueue_dma source(%dma_start3A_57 : memref<640x128xf32, #tpu.memory_space<hbm>>) target(%dma_start3A_55 : memref<640x128xf32, #tpu.memory_space<vmem_shared>>) target_semaphore(%run_scoped3A : memref<!tpu.dma_semaphore, #tpu.memory_space<semaphore_mem>>)
        %dma_wait3A = arith.constant 0 : i32
        %dma_wait3A_58 = tpu.memref_slice %arg11[%mul3A_2, %dma_wait3A] : memref<10240x128xf32, #tpu.memory_space<vmem_shared>> -> memref<640x128xf32, #tpu.memory_space<vmem_shared>>
        %dma_wait3A_59 = arith.constant 0 : i32
        %dma_wait3A_60 = tpu.memref_slice %arg3[%mul3A_2, %dma_wait3A_59] : memref<10240x128xf32, #tpu.memory_space<hbm>> -> memref<640x128xf32, #tpu.memory_space<hbm>>
        tpu.wait_dma2 semaphore(%run_scoped3A : memref<!tpu.dma_semaphore, #tpu.memory_space<semaphore_mem>>) src(%dma_wait3A_60 : memref<640x128xf32, #tpu.memory_space<hbm>>) dst(%dma_wait3A_58 : memref<640x128xf32, #tpu.memory_space<vmem_shared>>)
        tpu.yield
      }) : () -> ()
    } else {
    }
    %mul3A_18 = arith.constant 80 : i32
    %mul3A_19 = arith.muli %add3A, %mul3A_18 : i32
    "tpu.region"() ({
      %run_scoped3A = tpu.sem_alloc : memref<!tpu.dma_semaphore, #tpu.memory_space<semaphore_mem>>
      %dma_start3A_54 = arith.constant 0 : i32
      %dma_start3A_55 = tpu.memref_slice %arg4[%mul3A_19, %dma_start3A_54] : memref<2560x125xi32, #tpu.memory_space<hbm>> -> memref<40x125xi32, #tpu.memory_space<hbm>>
      %dma_start3A_56 = arith.constant 0 : i32
      %dma_start3A_57 = tpu.memref_slice %arg4[%mul3A_19, %dma_start3A_56] : memref<2560x125xi32, #tpu.memory_space<hbm>> -> memref<40x125xi32, #tpu.memory_space<hbm>>
      tpu.enqueue_dma source(%dma_start3A_57 : memref<40x125xi32, #tpu.memory_space<hbm>>) target(%arg7 : memref<40x125xi32, #tpu.memory_space<vmem>>) target_semaphore(%run_scoped3A : memref<!tpu.dma_semaphore, #tpu.memory_space<semaphore_mem>>)
      %dma_wait3A = arith.constant 0 : i32
      %dma_wait3A_58 = tpu.memref_slice %arg4[%mul3A_19, %dma_wait3A] : memref<2560x125xi32, #tpu.memory_space<hbm>> -> memref<40x125xi32, #tpu.memory_space<hbm>>
      %dma_wait3A_59 = arith.constant 0 : i32
      %dma_wait3A_60 = tpu.memref_slice %arg4[%mul3A_19, %dma_wait3A_59] : memref<2560x125xi32, #tpu.memory_space<hbm>> -> memref<40x125xi32, #tpu.memory_space<hbm>>
      tpu.wait_dma2 semaphore(%run_scoped3A : memref<!tpu.dma_semaphore, #tpu.memory_space<semaphore_mem>>) src(%dma_wait3A_60 : memref<40x125xi32, #tpu.memory_space<hbm>>) dst(%arg7 : memref<40x125xi32, #tpu.memory_space<vmem>>)
      tpu.yield
    }) : () -> ()
    %mul3A_20 = arith.constant 80 : i32
    %mul3A_21 = arith.muli %add3A, %mul3A_20 : i32
    "tpu.region"() ({
      %run_scoped3A = tpu.sem_alloc : memref<!tpu.dma_semaphore, #tpu.memory_space<semaphore_mem>>
      %dma_start3A_54 = arith.constant 0 : i32
      %dma_start3A_55 = tpu.memref_slice %arg5[%mul3A_21, %dma_start3A_54] : memref<2560x125xi32, #tpu.memory_space<hbm>> -> memref<40x125xi32, #tpu.memory_space<hbm>>
      %dma_start3A_56 = arith.constant 0 : i32
      %dma_start3A_57 = tpu.memref_slice %arg5[%mul3A_21, %dma_start3A_56] : memref<2560x125xi32, #tpu.memory_space<hbm>> -> memref<40x125xi32, #tpu.memory_space<hbm>>
      tpu.enqueue_dma source(%dma_start3A_57 : memref<40x125xi32, #tpu.memory_space<hbm>>) target(%arg8 : memref<40x125xi32, #tpu.memory_space<vmem>>) target_semaphore(%run_scoped3A : memref<!tpu.dma_semaphore, #tpu.memory_space<semaphore_mem>>)
      %dma_wait3A = arith.constant 0 : i32
      %dma_wait3A_58 = tpu.memref_slice %arg5[%mul3A_21, %dma_wait3A] : memref<2560x125xi32, #tpu.memory_space<hbm>> -> memref<40x125xi32, #tpu.memory_space<hbm>>
      %dma_wait3A_59 = arith.constant 0 : i32
      %dma_wait3A_60 = tpu.memref_slice %arg5[%mul3A_21, %dma_wait3A_59] : memref<2560x125xi32, #tpu.memory_space<hbm>> -> memref<40x125xi32, #tpu.memory_space<hbm>>
      tpu.wait_dma2 semaphore(%run_scoped3A : memref<!tpu.dma_semaphore, #tpu.memory_space<semaphore_mem>>) src(%dma_wait3A_60 : memref<40x125xi32, #tpu.memory_space<hbm>>) dst(%arg8 : memref<40x125xi32, #tpu.memory_space<vmem>>)
      tpu.yield
    }) : () -> ()
    %dma_start3A = arith.constant 0 : i32
    %dma_start3A_22 = arith.constant 0 : i32
    %dma_start3A_23 = tpu.memref_slice %arg7[%dma_start3A, %dma_start3A_22] : memref<40x125xi32, #tpu.memory_space<vmem>> -> memref<1x125xi32, #tpu.memory_space<vmem>>
    %dma_start3A_24 = tpu.memref_squeeze %dma_start3A_23 : memref<1x125xi32, #tpu.memory_space<vmem>> -> memref<125xi32, #tpu.memory_space<vmem>>
    %dma_start3A_25 = arith.constant 0 : i32
    %dma_start3A_26 = arith.constant 0 : i32
    %dma_start3A_27 = tpu.memref_slice %arg2[%dma_start3A_25, %dma_start3A_26] : memref<10000x128xf32, #tpu.memory_space<hbm>> -> memref<10000x128xf32, #tpu.memory_space<hbm>>
    tpu.enqueue_indirect_dma source(%dma_start3A_27 : memref<10000x128xf32, #tpu.memory_space<hbm>>) target(%arg9 : memref<125x128xf32, #tpu.memory_space<vmem>>) offsets(%dma_start3A_24 : memref<125xi32, #tpu.memory_space<vmem>>) semaphore(%arg12 : memref<!tpu.dma_semaphore, #tpu.memory_space<semaphore_mem>>)
    %barrier3A = arith.constant 0 : index
    tpu.barrier barrier_id(%barrier3A)
    %scan3A = arith.constant 0 : i32
    %scan3A_28 = arith.constant 0 : i32
    %scan3A_29 = arith.constant 20 : i32
    %scan3A_30 = arith.addi %scan3A_28, %scan3A_29 : i32
    %scan3A_31 = arith.constant 1 : i32
    scf.for %scan3A_54 = %scan3A_28 to %scan3A_30 step %scan3A_31  : i32 {
      %mul3A_55 = arith.constant 2 : i32
      %mul3A_56 = arith.muli %mul3A_55, %scan3A_54 : i32
      %add3A_57 = arith.constant 1 : i32
      %add3A_58 = arith.addi %mul3A_56, %add3A_57 : i32
      %dma_wait3A = arith.constant 0 : i32
      %dma_wait3A_59 = tpu.memref_slice %arg7[%mul3A_56, %dma_wait3A] : memref<40x125xi32, #tpu.memory_space<vmem>> -> memref<1x125xi32, #tpu.memory_space<vmem>>
      %dma_wait3A_60 = tpu.memref_squeeze %dma_wait3A_59 : memref<1x125xi32, #tpu.memory_space<vmem>> -> memref<125xi32, #tpu.memory_space<vmem>>
      %dma_wait3A_61 = arith.constant 0 : i32
      %dma_wait3A_62 = arith.constant 0 : i32
      %dma_wait3A_63 = tpu.memref_slice %arg2[%dma_wait3A_61, %dma_wait3A_62] : memref<10000x128xf32, #tpu.memory_space<hbm>> -> memref<10000x128xf32, #tpu.memory_space<hbm>>
      tpu.wait_indirect_dma semaphore(%arg12 : memref<!tpu.dma_semaphore, #tpu.memory_space<semaphore_mem>>) src(%dma_wait3A_63 : memref<10000x128xf32, #tpu.memory_space<hbm>>) dst(%arg9 : memref<125x128xf32, #tpu.memory_space<vmem>>)
      %dma_start3A_64 = arith.constant 0 : i32
      %dma_start3A_65 = tpu.memref_slice %arg7[%add3A_58, %dma_start3A_64] : memref<40x125xi32, #tpu.memory_space<vmem>> -> memref<1x125xi32, #tpu.memory_space<vmem>>
      %dma_start3A_66 = tpu.memref_squeeze %dma_start3A_65 : memref<1x125xi32, #tpu.memory_space<vmem>> -> memref<125xi32, #tpu.memory_space<vmem>>
      %dma_start3A_67 = arith.constant 0 : i32
      %dma_start3A_68 = arith.constant 0 : i32
      %dma_start3A_69 = tpu.memref_slice %arg2[%dma_start3A_67, %dma_start3A_68] : memref<10000x128xf32, #tpu.memory_space<hbm>> -> memref<10000x128xf32, #tpu.memory_space<hbm>>
      tpu.enqueue_indirect_dma source(%dma_start3A_69 : memref<10000x128xf32, #tpu.memory_space<hbm>>) target(%arg10 : memref<125x128xf32, #tpu.memory_space<vmem>>) offsets(%dma_start3A_66 : memref<125xi32, #tpu.memory_space<vmem>>) semaphore(%arg13 : memref<!tpu.dma_semaphore, #tpu.memory_space<semaphore_mem>>)
      "tpu.region"() ({
        %run_scoped3A = tpu.sem_alloc : memref<!tpu.dma_semaphore, #tpu.memory_space<semaphore_mem>>
        %dma_start3A_83 = arith.constant 0 : i32
        %dma_start3A_84 = tpu.memref_slice %arg8[%mul3A_56, %dma_start3A_83] : memref<40x125xi32, #tpu.memory_space<vmem>> -> memref<1x125xi32, #tpu.memory_space<vmem>>
        %dma_start3A_85 = tpu.memref_squeeze %dma_start3A_84 : memref<1x125xi32, #tpu.memory_space<vmem>> -> memref<125xi32, #tpu.memory_space<vmem>>
        %dma_start3A_86 = arith.constant 0 : i32
        %dma_start3A_87 = arith.constant 0 : i32
        %dma_start3A_88 = tpu.memref_slice %arg11[%dma_start3A_86, %dma_start3A_87] : memref<10240x128xf32, #tpu.memory_space<vmem_shared>> -> memref<10240x128xf32, #tpu.memory_space<vmem_shared>>
        tpu.enqueue_indirect_dma source(%arg9 : memref<125x128xf32, #tpu.memory_space<vmem>>) target(%dma_start3A_88 : memref<10240x128xf32, #tpu.memory_space<vmem_shared>>) offsets(%dma_start3A_85 : memref<125xi32, #tpu.memory_space<vmem>>) semaphore(%run_scoped3A : memref<!tpu.dma_semaphore, #tpu.memory_space<semaphore_mem>>) {add = true}
        %dma_wait3A_89 = arith.constant 0 : i32
        %dma_wait3A_90 = tpu.memref_slice %arg8[%mul3A_56, %dma_wait3A_89] : memref<40x125xi32, #tpu.memory_space<vmem>> -> memref<1x125xi32, #tpu.memory_space<vmem>>
        %dma_wait3A_91 = tpu.memref_squeeze %dma_wait3A_90 : memref<1x125xi32, #tpu.memory_space<vmem>> -> memref<125xi32, #tpu.memory_space<vmem>>
        %dma_wait3A_92 = arith.constant 0 : i32
        %dma_wait3A_93 = arith.constant 0 : i32
        %dma_wait3A_94 = tpu.memref_slice %arg11[%dma_wait3A_92, %dma_wait3A_93] : memref<10240x128xf32, #tpu.memory_space<vmem_shared>> -> memref<10240x128xf32, #tpu.memory_space<vmem_shared>>
        tpu.wait_indirect_dma semaphore(%run_scoped3A : memref<!tpu.dma_semaphore, #tpu.memory_space<semaphore_mem>>) src(%arg9 : memref<125x128xf32, #tpu.memory_space<vmem>>) dst(%dma_wait3A_94 : memref<10240x128xf32, #tpu.memory_space<vmem_shared>>)
        tpu.yield
      }) : () -> ()
      %dma_wait3A_70 = arith.constant 0 : i32
      %dma_wait3A_71 = tpu.memref_slice %arg7[%add3A_58, %dma_wait3A_70] : memref<40x125xi32, #tpu.memory_space<vmem>> -> memref<1x125xi32, #tpu.memory_space<vmem>>
      %dma_wait3A_72 = tpu.memref_squeeze %dma_wait3A_71 : memref<1x125xi32, #tpu.memory_space<vmem>> -> memref<125xi32, #tpu.memory_space<vmem>>
      %dma_wait3A_73 = arith.constant 0 : i32
      %dma_wait3A_74 = arith.constant 0 : i32
      %dma_wait3A_75 = tpu.memref_slice %arg2[%dma_wait3A_73, %dma_wait3A_74] : memref<10000x128xf32, #tpu.memory_space<hbm>> -> memref<10000x128xf32, #tpu.memory_space<hbm>>
      tpu.wait_indirect_dma semaphore(%arg13 : memref<!tpu.dma_semaphore, #tpu.memory_space<semaphore_mem>>) src(%dma_wait3A_75 : memref<10000x128xf32, #tpu.memory_space<hbm>>) dst(%arg10 : memref<125x128xf32, #tpu.memory_space<vmem>>)
      %add3A_76 = arith.constant 2 : i32
      %add3A_77 = arith.addi %mul3A_56, %add3A_76 : i32
      %lt3A_78 = arith.constant 40 : i32
      %lt3A_79 = arith.cmpi slt, %add3A_77, %lt3A_78 : i32
      %convert_element_type3A_80 = arith.extui %lt3A_79 : i1 to i32
      %cond3A_81 = arith.constant 0 : i32
      %cond3A_82 = arith.cmpi ne, %convert_element_type3A_80, %cond3A_81 : i32
      scf.if %cond3A_82 {
        %add3A_83 = arith.constant 2 : i32
        %add3A_84 = arith.addi %mul3A_56, %add3A_83 : i32
        %dma_start3A_85 = arith.constant 0 : i32
        %dma_start3A_86 = tpu.memref_slice %arg7[%add3A_84, %dma_start3A_85] : memref<40x125xi32, #tpu.memory_space<vmem>> -> memref<1x125xi32, #tpu.memory_space<vmem>>
        %dma_start3A_87 = tpu.memref_squeeze %dma_start3A_86 : memref<1x125xi32, #tpu.memory_space<vmem>> -> memref<125xi32, #tpu.memory_space<vmem>>
        %dma_start3A_88 = arith.constant 0 : i32
        %dma_start3A_89 = arith.constant 0 : i32
        %dma_start3A_90 = tpu.memref_slice %arg2[%dma_start3A_88, %dma_start3A_89] : memref<10000x128xf32, #tpu.memory_space<hbm>> -> memref<10000x128xf32, #tpu.memory_space<hbm>>
        tpu.enqueue_indirect_dma source(%dma_start3A_90 : memref<10000x128xf32, #tpu.memory_space<hbm>>) target(%arg9 : memref<125x128xf32, #tpu.memory_space<vmem>>) offsets(%dma_start3A_87 : memref<125xi32, #tpu.memory_space<vmem>>) semaphore(%arg12 : memref<!tpu.dma_semaphore, #tpu.memory_space<semaphore_mem>>)
      } else {
      }
      "tpu.region"() ({
        %run_scoped3A = tpu.sem_alloc : memref<!tpu.dma_semaphore, #tpu.memory_space<semaphore_mem>>
        %dma_start3A_83 = arith.constant 0 : i32
        %dma_start3A_84 = tpu.memref_slice %arg8[%add3A_58, %dma_start3A_83] : memref<40x125xi32, #tpu.memory_space<vmem>> -> memref<1x125xi32, #tpu.memory_space<vmem>>
        %dma_start3A_85 = tpu.memref_squeeze %dma_start3A_84 : memref<1x125xi32, #tpu.memory_space<vmem>> -> memref<125xi32, #tpu.memory_space<vmem>>
        %dma_start3A_86 = arith.constant 0 : i32
        %dma_start3A_87 = arith.constant 0 : i32
        %dma_start3A_88 = tpu.memref_slice %arg11[%dma_start3A_86, %dma_start3A_87] : memref<10240x128xf32, #tpu.memory_space<vmem_shared>> -> memref<10240x128xf32, #tpu.memory_space<vmem_shared>>
        tpu.enqueue_indirect_dma source(%arg10 : memref<125x128xf32, #tpu.memory_space<vmem>>) target(%dma_start3A_88 : memref<10240x128xf32, #tpu.memory_space<vmem_shared>>) offsets(%dma_start3A_85 : memref<125xi32, #tpu.memory_space<vmem>>) semaphore(%run_scoped3A : memref<!tpu.dma_semaphore, #tpu.memory_space<semaphore_mem>>) {add = true}
        %dma_wait3A_89 = arith.constant 0 : i32
        %dma_wait3A_90 = tpu.memref_slice %arg8[%add3A_58, %dma_wait3A_89] : memref<40x125xi32, #tpu.memory_space<vmem>> -> memref<1x125xi32, #tpu.memory_space<vmem>>
        %dma_wait3A_91 = tpu.memref_squeeze %dma_wait3A_90 : memref<1x125xi32, #tpu.memory_space<vmem>> -> memref<125xi32, #tpu.memory_space<vmem>>
        %dma_wait3A_92 = arith.constant 0 : i32
        %dma_wait3A_93 = arith.constant 0 : i32
        %dma_wait3A_94 = tpu.memref_slice %arg11[%dma_wait3A_92, %dma_wait3A_93] : memref<10240x128xf32, #tpu.memory_space<vmem_shared>> -> memref<10240x128xf32, #tpu.memory_space<vmem_shared>>
        tpu.wait_indirect_dma semaphore(%run_scoped3A : memref<!tpu.dma_semaphore, #tpu.memory_space<semaphore_mem>>) src(%arg10 : memref<125x128xf32, #tpu.memory_space<vmem>>) dst(%dma_wait3A_94 : memref<10240x128xf32, #tpu.memory_space<vmem_shared>>)
        tpu.yield
      }) : () -> ()
    }
    %scan3A_32 = arith.constant 20 : i32
    %mul3A_33 = arith.constant 80 : i32
    %mul3A_34 = arith.muli %add3A, %mul3A_33 : i32
    %add3A_35 = arith.constant 40 : i32
    %add3A_36 = arith.addi %mul3A_34, %add3A_35 : i32
    "tpu.region"() ({
      %run_scoped3A = tpu.sem_alloc : memref<!tpu.dma_semaphore, #tpu.memory_space<semaphore_mem>>
      %dma_start3A_54 = arith.constant 0 : i32
      %dma_start3A_55 = tpu.memref_slice %arg4[%add3A_36, %dma_start3A_54] : memref<2560x125xi32, #tpu.memory_space<hbm>> -> memref<40x125xi32, #tpu.memory_space<hbm>>
      %dma_start3A_56 = arith.constant 0 : i32
      %dma_start3A_57 = tpu.memref_slice %arg4[%add3A_36, %dma_start3A_56] : memref<2560x125xi32, #tpu.memory_space<hbm>> -> memref<40x125xi32, #tpu.memory_space<hbm>>
      tpu.enqueue_dma source(%dma_start3A_57 : memref<40x125xi32, #tpu.memory_space<hbm>>) target(%arg7 : memref<40x125xi32, #tpu.memory_space<vmem>>) target_semaphore(%run_scoped3A : memref<!tpu.dma_semaphore, #tpu.memory_space<semaphore_mem>>)
      %dma_wait3A = arith.constant 0 : i32
      %dma_wait3A_58 = tpu.memref_slice %arg4[%add3A_36, %dma_wait3A] : memref<2560x125xi32, #tpu.memory_space<hbm>> -> memref<40x125xi32, #tpu.memory_space<hbm>>
      %dma_wait3A_59 = arith.constant 0 : i32
      %dma_wait3A_60 = tpu.memref_slice %arg4[%add3A_36, %dma_wait3A_59] : memref<2560x125xi32, #tpu.memory_space<hbm>> -> memref<40x125xi32, #tpu.memory_space<hbm>>
      tpu.wait_dma2 semaphore(%run_scoped3A : memref<!tpu.dma_semaphore, #tpu.memory_space<semaphore_mem>>) src(%dma_wait3A_60 : memref<40x125xi32, #tpu.memory_space<hbm>>) dst(%arg7 : memref<40x125xi32, #tpu.memory_space<vmem>>)
      tpu.yield
    }) : () -> ()
    "tpu.region"() ({
      %run_scoped3A = tpu.sem_alloc : memref<!tpu.dma_semaphore, #tpu.memory_space<semaphore_mem>>
      %dma_start3A_54 = arith.constant 0 : i32
      %dma_start3A_55 = tpu.memref_slice %arg5[%add3A_36, %dma_start3A_54] : memref<2560x125xi32, #tpu.memory_space<hbm>> -> memref<40x125xi32, #tpu.memory_space<hbm>>
      %dma_start3A_56 = arith.constant 0 : i32
      %dma_start3A_57 = tpu.memref_slice %arg5[%add3A_36, %dma_start3A_56] : memref<2560x125xi32, #tpu.memory_space<hbm>> -> memref<40x125xi32, #tpu.memory_space<hbm>>
      tpu.enqueue_dma source(%dma_start3A_57 : memref<40x125xi32, #tpu.memory_space<hbm>>) target(%arg8 : memref<40x125xi32, #tpu.memory_space<vmem>>) target_semaphore(%run_scoped3A : memref<!tpu.dma_semaphore, #tpu.memory_space<semaphore_mem>>)
      %dma_wait3A = arith.constant 0 : i32
      %dma_wait3A_58 = tpu.memref_slice %arg5[%add3A_36, %dma_wait3A] : memref<2560x125xi32, #tpu.memory_space<hbm>> -> memref<40x125xi32, #tpu.memory_space<hbm>>
      %dma_wait3A_59 = arith.constant 0 : i32
      %dma_wait3A_60 = tpu.memref_slice %arg5[%add3A_36, %dma_wait3A_59] : memref<2560x125xi32, #tpu.memory_space<hbm>> -> memref<40x125xi32, #tpu.memory_space<hbm>>
      tpu.wait_dma2 semaphore(%run_scoped3A : memref<!tpu.dma_semaphore, #tpu.memory_space<semaphore_mem>>) src(%dma_wait3A_60 : memref<40x125xi32, #tpu.memory_space<hbm>>) dst(%arg8 : memref<40x125xi32, #tpu.memory_space<vmem>>)
      tpu.yield
    }) : () -> ()
    %dma_start3A_37 = arith.constant 0 : i32
    %dma_start3A_38 = arith.constant 0 : i32
    %dma_start3A_39 = tpu.memref_slice %arg7[%dma_start3A_37, %dma_start3A_38] : memref<40x125xi32, #tpu.memory_space<vmem>> -> memref<1x125xi32, #tpu.memory_space<vmem>>
    %dma_start3A_40 = tpu.memref_squeeze %dma_start3A_39 : memref<1x125xi32, #tpu.memory_space<vmem>> -> memref<125xi32, #tpu.memory_space<vmem>>
    %dma_start3A_41 = arith.constant 0 : i32
    %dma_start3A_42 = arith.constant 0 : i32
    %dma_start3A_43 = tpu.memref_slice %arg2[%dma_start3A_41, %dma_start3A_42] : memref<10000x128xf32, #tpu.memory_space<hbm>> -> memref<10000x128xf32, #tpu.memory_space<hbm>>
    tpu.enqueue_indirect_dma source(%dma_start3A_43 : memref<10000x128xf32, #tpu.memory_space<hbm>>) target(%arg9 : memref<125x128xf32, #tpu.memory_space<vmem>>) offsets(%dma_start3A_40 : memref<125xi32, #tpu.memory_space<vmem>>) semaphore(%arg12 : memref<!tpu.dma_semaphore, #tpu.memory_space<semaphore_mem>>)
    %scan3A_44 = arith.constant 0 : i32
    %scan3A_45 = arith.constant 0 : i32
    %scan3A_46 = arith.constant 20 : i32
    %scan3A_47 = arith.addi %scan3A_45, %scan3A_46 : i32
    %scan3A_48 = arith.constant 1 : i32
    scf.for %scan3A_54 = %scan3A_45 to %scan3A_47 step %scan3A_48  : i32 {
      %mul3A_55 = arith.constant 2 : i32
      %mul3A_56 = arith.muli %mul3A_55, %scan3A_54 : i32
      %add3A_57 = arith.constant 1 : i32
      %add3A_58 = arith.addi %mul3A_56, %add3A_57 : i32
      %dma_wait3A = arith.constant 0 : i32
      %dma_wait3A_59 = tpu.memref_slice %arg7[%mul3A_56, %dma_wait3A] : memref<40x125xi32, #tpu.memory_space<vmem>> -> memref<1x125xi32, #tpu.memory_space<vmem>>
      %dma_wait3A_60 = tpu.memref_squeeze %dma_wait3A_59 : memref<1x125xi32, #tpu.memory_space<vmem>> -> memref<125xi32, #tpu.memory_space<vmem>>
      %dma_wait3A_61 = arith.constant 0 : i32
      %dma_wait3A_62 = arith.constant 0 : i32
      %dma_wait3A_63 = tpu.memref_slice %arg2[%dma_wait3A_61, %dma_wait3A_62] : memref<10000x128xf32, #tpu.memory_space<hbm>> -> memref<10000x128xf32, #tpu.memory_space<hbm>>
      tpu.wait_indirect_dma semaphore(%arg12 : memref<!tpu.dma_semaphore, #tpu.memory_space<semaphore_mem>>) src(%dma_wait3A_63 : memref<10000x128xf32, #tpu.memory_space<hbm>>) dst(%arg9 : memref<125x128xf32, #tpu.memory_space<vmem>>)
      %dma_start3A_64 = arith.constant 0 : i32
      %dma_start3A_65 = tpu.memref_slice %arg7[%add3A_58, %dma_start3A_64] : memref<40x125xi32, #tpu.memory_space<vmem>> -> memref<1x125xi32, #tpu.memory_space<vmem>>
      %dma_start3A_66 = tpu.memref_squeeze %dma_start3A_65 : memref<1x125xi32, #tpu.memory_space<vmem>> -> memref<125xi32, #tpu.memory_space<vmem>>
      %dma_start3A_67 = arith.constant 0 : i32
      %dma_start3A_68 = arith.constant 0 : i32
      %dma_start3A_69 = tpu.memref_slice %arg2[%dma_start3A_67, %dma_start3A_68] : memref<10000x128xf32, #tpu.memory_space<hbm>> -> memref<10000x128xf32, #tpu.memory_space<hbm>>
      tpu.enqueue_indirect_dma source(%dma_start3A_69 : memref<10000x128xf32, #tpu.memory_space<hbm>>) target(%arg10 : memref<125x128xf32, #tpu.memory_space<vmem>>) offsets(%dma_start3A_66 : memref<125xi32, #tpu.memory_space<vmem>>) semaphore(%arg13 : memref<!tpu.dma_semaphore, #tpu.memory_space<semaphore_mem>>)
      "tpu.region"() ({
        %run_scoped3A = tpu.sem_alloc : memref<!tpu.dma_semaphore, #tpu.memory_space<semaphore_mem>>
        %dma_start3A_83 = arith.constant 0 : i32
        %dma_start3A_84 = tpu.memref_slice %arg8[%mul3A_56, %dma_start3A_83] : memref<40x125xi32, #tpu.memory_space<vmem>> -> memref<1x125xi32, #tpu.memory_space<vmem>>
        %dma_start3A_85 = tpu.memref_squeeze %dma_start3A_84 : memref<1x125xi32, #tpu.memory_space<vmem>> -> memref<125xi32, #tpu.memory_space<vmem>>
        %dma_start3A_86 = arith.constant 0 : i32
        %dma_start3A_87 = arith.constant 0 : i32
        %dma_start3A_88 = tpu.memref_slice %arg11[%dma_start3A_86, %dma_start3A_87] : memref<10240x128xf32, #tpu.memory_space<vmem_shared>> -> memref<10240x128xf32, #tpu.memory_space<vmem_shared>>
        tpu.enqueue_indirect_dma source(%arg9 : memref<125x128xf32, #tpu.memory_space<vmem>>) target(%dma_start3A_88 : memref<10240x128xf32, #tpu.memory_space<vmem_shared>>) offsets(%dma_start3A_85 : memref<125xi32, #tpu.memory_space<vmem>>) semaphore(%run_scoped3A : memref<!tpu.dma_semaphore, #tpu.memory_space<semaphore_mem>>) {add = true}
        %dma_wait3A_89 = arith.constant 0 : i32
        %dma_wait3A_90 = tpu.memref_slice %arg8[%mul3A_56, %dma_wait3A_89] : memref<40x125xi32, #tpu.memory_space<vmem>> -> memref<1x125xi32, #tpu.memory_space<vmem>>
        %dma_wait3A_91 = tpu.memref_squeeze %dma_wait3A_90 : memref<1x125xi32, #tpu.memory_space<vmem>> -> memref<125xi32, #tpu.memory_space<vmem>>
        %dma_wait3A_92 = arith.constant 0 : i32
        %dma_wait3A_93 = arith.constant 0 : i32
        %dma_wait3A_94 = tpu.memref_slice %arg11[%dma_wait3A_92, %dma_wait3A_93] : memref<10240x128xf32, #tpu.memory_space<vmem_shared>> -> memref<10240x128xf32, #tpu.memory_space<vmem_shared>>
        tpu.wait_indirect_dma semaphore(%run_scoped3A : memref<!tpu.dma_semaphore, #tpu.memory_space<semaphore_mem>>) src(%arg9 : memref<125x128xf32, #tpu.memory_space<vmem>>) dst(%dma_wait3A_94 : memref<10240x128xf32, #tpu.memory_space<vmem_shared>>)
        tpu.yield
      }) : () -> ()
      %dma_wait3A_70 = arith.constant 0 : i32
      %dma_wait3A_71 = tpu.memref_slice %arg7[%add3A_58, %dma_wait3A_70] : memref<40x125xi32, #tpu.memory_space<vmem>> -> memref<1x125xi32, #tpu.memory_space<vmem>>
      %dma_wait3A_72 = tpu.memref_squeeze %dma_wait3A_71 : memref<1x125xi32, #tpu.memory_space<vmem>> -> memref<125xi32, #tpu.memory_space<vmem>>
      %dma_wait3A_73 = arith.constant 0 : i32
      %dma_wait3A_74 = arith.constant 0 : i32
      %dma_wait3A_75 = tpu.memref_slice %arg2[%dma_wait3A_73, %dma_wait3A_74] : memref<10000x128xf32, #tpu.memory_space<hbm>> -> memref<10000x128xf32, #tpu.memory_space<hbm>>
      tpu.wait_indirect_dma semaphore(%arg13 : memref<!tpu.dma_semaphore, #tpu.memory_space<semaphore_mem>>) src(%dma_wait3A_75 : memref<10000x128xf32, #tpu.memory_space<hbm>>) dst(%arg10 : memref<125x128xf32, #tpu.memory_space<vmem>>)
      %add3A_76 = arith.constant 2 : i32
      %add3A_77 = arith.addi %mul3A_56, %add3A_76 : i32
      %lt3A_78 = arith.constant 40 : i32
      %lt3A_79 = arith.cmpi slt, %add3A_77, %lt3A_78 : i32
      %convert_element_type3A_80 = arith.extui %lt3A_79 : i1 to i32
      %cond3A_81 = arith.constant 0 : i32
      %cond3A_82 = arith.cmpi ne, %convert_element_type3A_80, %cond3A_81 : i32
      scf.if %cond3A_82 {
        %add3A_83 = arith.constant 2 : i32
        %add3A_84 = arith.addi %mul3A_56, %add3A_83 : i32
        %dma_start3A_85 = arith.constant 0 : i32
        %dma_start3A_86 = tpu.memref_slice %arg7[%add3A_84, %dma_start3A_85] : memref<40x125xi32, #tpu.memory_space<vmem>> -> memref<1x125xi32, #tpu.memory_space<vmem>>
        %dma_start3A_87 = tpu.memref_squeeze %dma_start3A_86 : memref<1x125xi32, #tpu.memory_space<vmem>> -> memref<125xi32, #tpu.memory_space<vmem>>
        %dma_start3A_88 = arith.constant 0 : i32
        %dma_start3A_89 = arith.constant 0 : i32
        %dma_start3A_90 = tpu.memref_slice %arg2[%dma_start3A_88, %dma_start3A_89] : memref<10000x128xf32, #tpu.memory_space<hbm>> -> memref<10000x128xf32, #tpu.memory_space<hbm>>
        tpu.enqueue_indirect_dma source(%dma_start3A_90 : memref<10000x128xf32, #tpu.memory_space<hbm>>) target(%arg9 : memref<125x128xf32, #tpu.memory_space<vmem>>) offsets(%dma_start3A_87 : memref<125xi32, #tpu.memory_space<vmem>>) semaphore(%arg12 : memref<!tpu.dma_semaphore, #tpu.memory_space<semaphore_mem>>)
      } else {
      }
      "tpu.region"() ({
        %run_scoped3A = tpu.sem_alloc : memref<!tpu.dma_semaphore, #tpu.memory_space<semaphore_mem>>
        %dma_start3A_83 = arith.constant 0 : i32
        %dma_start3A_84 = tpu.memref_slice %arg8[%add3A_58, %dma_start3A_83] : memref<40x125xi32, #tpu.memory_space<vmem>> -> memref<1x125xi32, #tpu.memory_space<vmem>>
        %dma_start3A_85 = tpu.memref_squeeze %dma_start3A_84 : memref<1x125xi32, #tpu.memory_space<vmem>> -> memref<125xi32, #tpu.memory_space<vmem>>
        %dma_start3A_86 = arith.constant 0 : i32
        %dma_start3A_87 = arith.constant 0 : i32
        %dma_start3A_88 = tpu.memref_slice %arg11[%dma_start3A_86, %dma_start3A_87] : memref<10240x128xf32, #tpu.memory_space<vmem_shared>> -> memref<10240x128xf32, #tpu.memory_space<vmem_shared>>
        tpu.enqueue_indirect_dma source(%arg10 : memref<125x128xf32, #tpu.memory_space<vmem>>) target(%dma_start3A_88 : memref<10240x128xf32, #tpu.memory_space<vmem_shared>>) offsets(%dma_start3A_85 : memref<125xi32, #tpu.memory_space<vmem>>) semaphore(%run_scoped3A : memref<!tpu.dma_semaphore, #tpu.memory_space<semaphore_mem>>) {add = true}
        %dma_wait3A_89 = arith.constant 0 : i32
        %dma_wait3A_90 = tpu.memref_slice %arg8[%add3A_58, %dma_wait3A_89] : memref<40x125xi32, #tpu.memory_space<vmem>> -> memref<1x125xi32, #tpu.memory_space<vmem>>
        %dma_wait3A_91 = tpu.memref_squeeze %dma_wait3A_90 : memref<1x125xi32, #tpu.memory_space<vmem>> -> memref<125xi32, #tpu.memory_space<vmem>>
        %dma_wait3A_92 = arith.constant 0 : i32
        %dma_wait3A_93 = arith.constant 0 : i32
        %dma_wait3A_94 = tpu.memref_slice %arg11[%dma_wait3A_92, %dma_wait3A_93] : memref<10240x128xf32, #tpu.memory_space<vmem_shared>> -> memref<10240x128xf32, #tpu.memory_space<vmem_shared>>
        tpu.wait_indirect_dma semaphore(%run_scoped3A : memref<!tpu.dma_semaphore, #tpu.memory_space<semaphore_mem>>) src(%arg10 : memref<125x128xf32, #tpu.memory_space<vmem>>) dst(%dma_wait3A_94 : memref<10240x128xf32, #tpu.memory_space<vmem_shared>>)
        tpu.yield
      }) : () -> ()
    }
    %scan3A_49 = arith.constant 20 : i32
    %barrier3A_50 = arith.constant 0 : index
    tpu.barrier barrier_id(%barrier3A_50)
    %mul3A_51 = arith.constant 10240 : i32
    %mul3A_52 = arith.muli %arg0, %mul3A_51 : i32
    %add3A_53 = arith.addi %mul3A_52, %mul3A_2 : i32
    "tpu.region"() ({
      %run_scoped3A = tpu.sem_alloc : memref<!tpu.dma_semaphore, #tpu.memory_space<semaphore_mem>>
      %dma_start3A_54 = arith.constant 0 : i32
      %dma_start3A_55 = tpu.memref_slice %arg6[%add3A_53, %dma_start3A_54] : memref<20480x128xf32, #tpu.memory_space<hbm>> -> memref<640x128xf32, #tpu.memory_space<hbm>>
      %dma_start3A_56 = arith.constant 0 : i32
      %dma_start3A_57 = tpu.memref_slice %arg11[%mul3A_2, %dma_start3A_56] : memref<10240x128xf32, #tpu.memory_space<vmem_shared>> -> memref<640x128xf32, #tpu.memory_space<vmem_shared>>
      tpu.enqueue_dma source(%dma_start3A_57 : memref<640x128xf32, #tpu.memory_space<vmem_shared>>) target(%dma_start3A_55 : memref<640x128xf32, #tpu.memory_space<hbm>>) target_semaphore(%run_scoped3A : memref<!tpu.dma_semaphore, #tpu.memory_space<semaphore_mem>>)
      %dma_wait3A = arith.constant 0 : i32
      %dma_wait3A_58 = tpu.memref_slice %arg6[%add3A_53, %dma_wait3A] : memref<20480x128xf32, #tpu.memory_space<hbm>> -> memref<640x128xf32, #tpu.memory_space<hbm>>
      %dma_wait3A_59 = arith.constant 0 : i32
      %dma_wait3A_60 = tpu.memref_slice %arg11[%mul3A_2, %dma_wait3A_59] : memref<10240x128xf32, #tpu.memory_space<vmem_shared>> -> memref<640x128xf32, #tpu.memory_space<vmem_shared>>
      tpu.wait_dma2 semaphore(%run_scoped3A : memref<!tpu.dma_semaphore, #tpu.memory_space<semaphore_mem>>) src(%dma_wait3A_60 : memref<640x128xf32, #tpu.memory_space<vmem_shared>>) dst(%dma_wait3A_58 : memref<640x128xf32, #tpu.memory_space<hbm>>)
      tpu.yield
    }) : () -> ()
    return
  }
}

module attributes {stable_mosaic.version = 14 : i64} {
  func.func @body(%arg0: i32, %arg1: memref<2x2048x128xf32, #tpu.memory_space<vmem>>, %arg2: memref<128x128xf32, #tpu.memory_space<vmem>>, %arg3: memref<1x128xf32, #tpu.memory_space<vmem>>, %arg4: memref<2048x128xf32, #tpu.memory_space<vmem>>) attributes {dimension_semantics = [#tpu.dimension_semantics<arbitrary>], iteration_bounds = array<i64: 5>, scalar_prefetch = 0 : i64, scratch_operands = 0 : i64, tpu.core_type = #tpu.core_type<tc>, window_params = [{transform_indices = @transform_0, window_bounds = array<i64: 2, 2048, 128>}, {pipeline_mode = #tpu.pipeline_mode<synchronous>, transform_indices = @transform_1, window_bounds = array<i64: 128, 128>}, {pipeline_mode = #tpu.pipeline_mode<synchronous>, transform_indices = @transform_2, window_bounds = array<i64: 1, 128>}, {transform_indices = @transform_3, window_bounds = array<i64: 2048, 128>}]} {
    %get3A = arith.constant 0 : index
    %get3A_0 = arith.constant 0 : index
    %get3A_1 = arith.constant 0 : index
    %get3A_2 = vector.load %arg1[%get3A, %get3A_0, %get3A_1] : memref<2x2048x128xf32, #tpu.memory_space<vmem>>, vector<1x2048x128xf32>
    %get3A_3 = vector.shape_cast %get3A_2 : vector<1x2048x128xf32> to vector<2048x128xf32>
    %get3A_4 = arith.constant 1 : index
    %get3A_5 = arith.constant 0 : index
    %get3A_6 = arith.constant 0 : index
    %get3A_7 = vector.load %arg1[%get3A_4, %get3A_5, %get3A_6] : memref<2x2048x128xf32, #tpu.memory_space<vmem>>, vector<1x2048x128xf32>
    %get3A_8 = vector.shape_cast %get3A_7 : vector<1x2048x128xf32> to vector<2048x128xf32>
    %add3A = arith.addf %get3A_3, %get3A_8 : vector<2048x128xf32>
    %get3A_9 = arith.constant 0 : index
    %get3A_10 = arith.constant 0 : index
    %get3A_11 = vector.load %arg2[%get3A_9, %get3A_10] : memref<128x128xf32, #tpu.memory_space<vmem>>, vector<128x128xf32>
    %dot_general3A = arith.constant dense<0.000000e+00> : vector<2048x128xf32>
    %dot_general3A_12 = tpu.matmul %add3A, %get3A_11, %dot_general3A {dimension_numbers = #tpu.dot_dimension_numbers<[1], [0], [0], [1], [0, 0, 1, 1], [], []>, transpose_lhs_hint = false} : vector<2048x128xf32>, vector<128x128xf32>, vector<2048x128xf32> -> vector<2048x128xf32>
    %get3A_13 = arith.constant 0 : index
    %get3A_14 = arith.constant 0 : index
    %get3A_15 = vector.load %arg3[%get3A_13, %get3A_14] : memref<1x128xf32, #tpu.memory_space<vmem>>, vector<1x128xf32>
    %add3A_16 = vector.broadcast %get3A_15 : vector<1x128xf32> to vector<2048x128xf32>
    %add3A_17 = arith.addf %dot_general3A_12, %add3A_16 : vector<2048x128xf32>
    %gt3A = arith.constant 0.000000e+00 : f32
    %gt3A_18 = vector.broadcast %gt3A : f32 to vector<2048x128xf32>
    %gt3A_19 = arith.cmpf ogt, %add3A_17, %gt3A_18 : vector<2048x128xf32>
    %min3A = arith.constant 0.000000e+00 : f32
    %min3A_20 = vector.broadcast %min3A : f32 to vector<2048x128xf32>
    %min3A_21 = arith.minimumf %add3A_17, %min3A_20 : vector<2048x128xf32>
    %exp3A = math.exp %min3A_21 : vector<2048x128xf32>
    %sub3A = arith.constant 1.000000e+00 : f32
    %sub3A_22 = vector.broadcast %sub3A : f32 to vector<2048x128xf32>
    %sub3A_23 = arith.subf %exp3A, %sub3A_22 : vector<2048x128xf32>
    %select_n3A = arith.select %gt3A_19, %add3A_17, %sub3A_23 : vector<2048x128xi1>, vector<2048x128xf32>
    %swap3A = arith.constant 0 : index
    %swap3A_24 = arith.constant 0 : index
    %swap3A_25 = vector.load %arg4[%swap3A, %swap3A_24] : memref<2048x128xf32, #tpu.memory_space<vmem>>, vector<2048x128xf32>
    tpu.vector_store %arg4[%swap3A, %swap3A_24], %select_n3A {strides = array<i32>} : memref<2048x128xf32, #tpu.memory_space<vmem>>, vector<2048x128xf32>,
    return
  }
  func.func @transform_0(%arg0: i32) -> (i32, i32, i32) {
    %c0_i32 = arith.constant 0 : i32
    %c0_i32_0 = arith.constant 0 : i32
    %c0_i32_1 = arith.constant 0 : i32
    return %c0_i32, %arg0, %c0_i32_0 : i32, i32, i32
  }
  func.func @transform_1(%arg0: i32) -> (i32, i32) {
    %c0_i32 = arith.constant 0 : i32
    %c0_i32_0 = arith.constant 0 : i32
    %c0_i32_1 = arith.constant 0 : i32
    return %c0_i32, %c0_i32_0 : i32, i32
  }
  func.func @transform_2(%arg0: i32) -> (i32, i32) {
    %c0_i32 = arith.constant 0 : i32
    %c0_i32_0 = arith.constant 0 : i32
    %c0_i32_1 = arith.constant 0 : i32
    return %c0_i32, %c0_i32_0 : i32, i32
  }
  func.func @transform_3(%arg0: i32) -> (i32, i32) {
    %c0_i32 = arith.constant 0 : i32
    %c0_i32_0 = arith.constant 0 : i32
    return %arg0, %c0_i32 : i32, i32
  }
}

module attributes {stable_mosaic.version = 14 : i64} {
  func.func @body(%arg0: i32, %arg1: memref<2x1000x128xf32, #tpu.memory_space<vmem>>, %arg2: memref<128x128xf32, #tpu.memory_space<vmem>>, %arg3: memref<1x128xf32, #tpu.memory_space<vmem>>, %arg4: memref<1000x128xf32, #tpu.memory_space<vmem>>) attributes {dimension_semantics = [#tpu.dimension_semantics<arbitrary>], iteration_bounds = array<i64: 10>, scalar_prefetch = 0 : i64, scratch_operands = 0 : i64, tpu.core_type = #tpu.core_type<tc>, window_params = [{transform_indices = @transform_0, window_bounds = array<i64: 2, 1000, 128>}, {pipeline_mode = #tpu.pipeline_mode<synchronous>, transform_indices = @transform_1, window_bounds = array<i64: 128, 128>}, {pipeline_mode = #tpu.pipeline_mode<synchronous>, transform_indices = @transform_2, window_bounds = array<i64: 1, 128>}, {transform_indices = @transform_3, window_bounds = array<i64: 1000, 128>}]} {
    %get3A = arith.constant 0 : index
    %get3A_0 = arith.constant 0 : index
    %get3A_1 = arith.constant 0 : index
    %get3A_2 = vector.load %arg1[%get3A, %get3A_0, %get3A_1] : memref<2x1000x128xf32, #tpu.memory_space<vmem>>, vector<1x1000x128xf32>
    %get3A_3 = vector.shape_cast %get3A_2 : vector<1x1000x128xf32> to vector<1000x128xf32>
    %get3A_4 = arith.constant 1 : index
    %get3A_5 = arith.constant 0 : index
    %get3A_6 = arith.constant 0 : index
    %get3A_7 = vector.load %arg1[%get3A_4, %get3A_5, %get3A_6] : memref<2x1000x128xf32, #tpu.memory_space<vmem>>, vector<1x1000x128xf32>
    %get3A_8 = vector.shape_cast %get3A_7 : vector<1x1000x128xf32> to vector<1000x128xf32>
    %add3A = arith.addf %get3A_3, %get3A_8 : vector<1000x128xf32>
    %get3A_9 = arith.constant 0 : index
    %get3A_10 = arith.constant 0 : index
    %get3A_11 = vector.load %arg2[%get3A_9, %get3A_10] : memref<128x128xf32, #tpu.memory_space<vmem>>, vector<128x128xf32>
    %dot_general3A = arith.constant dense<0.000000e+00> : vector<1000x128xf32>
    %dot_general3A_12 = tpu.matmul %add3A, %get3A_11, %dot_general3A {dimension_numbers = #tpu.dot_dimension_numbers<[1], [0], [0], [1], [0, 0, 1, 1], [], []>, transpose_lhs_hint = false} : vector<1000x128xf32>, vector<128x128xf32>, vector<1000x128xf32> -> vector<1000x128xf32>
    %get3A_13 = arith.constant 0 : index
    %get3A_14 = arith.constant 0 : index
    %get3A_15 = vector.load %arg3[%get3A_13, %get3A_14] : memref<1x128xf32, #tpu.memory_space<vmem>>, vector<1x128xf32>
    %add3A_16 = vector.broadcast %get3A_15 : vector<1x128xf32> to vector<1000x128xf32>
    %add3A_17 = arith.addf %dot_general3A_12, %add3A_16 : vector<1000x128xf32>
    %gt3A = arith.constant 0.000000e+00 : f32
    %gt3A_18 = vector.broadcast %gt3A : f32 to vector<1000x128xf32>
    %gt3A_19 = arith.cmpf ogt, %add3A_17, %gt3A_18 : vector<1000x128xf32>
    %min3A = arith.constant 0.000000e+00 : f32
    %min3A_20 = vector.broadcast %min3A : f32 to vector<1000x128xf32>
    %min3A_21 = arith.minimumf %add3A_17, %min3A_20 : vector<1000x128xf32>
    %exp3A = math.exp %min3A_21 : vector<1000x128xf32>
    %sub3A = arith.constant 1.000000e+00 : f32
    %sub3A_22 = vector.broadcast %sub3A : f32 to vector<1000x128xf32>
    %sub3A_23 = arith.subf %exp3A, %sub3A_22 : vector<1000x128xf32>
    %select_n3A = arith.select %gt3A_19, %add3A_17, %sub3A_23 : vector<1000x128xi1>, vector<1000x128xf32>
    %swap3A = arith.constant 0 : index
    %swap3A_24 = arith.constant 0 : index
    %swap3A_25 = vector.load %arg4[%swap3A, %swap3A_24] : memref<1000x128xf32, #tpu.memory_space<vmem>>, vector<1000x128xf32>
    tpu.vector_store %arg4[%swap3A, %swap3A_24], %select_n3A {strides = array<i32>} : memref<1000x128xf32, #tpu.memory_space<vmem>>, vector<1000x128xf32>,
    return
  }
  func.func @transform_0(%arg0: i32) -> (i32, i32, i32) {
    %c0_i32 = arith.constant 0 : i32
    %c0_i32_0 = arith.constant 0 : i32
    %c0_i32_1 = arith.constant 0 : i32
    return %c0_i32, %arg0, %c0_i32_0 : i32, i32, i32
  }
  func.func @transform_1(%arg0: i32) -> (i32, i32) {
    %c0_i32 = arith.constant 0 : i32
    %c0_i32_0 = arith.constant 0 : i32
    %c0_i32_1 = arith.constant 0 : i32
    return %c0_i32, %c0_i32_0 : i32, i32
  }
  func.func @transform_2(%arg0: i32) -> (i32, i32) {
    %c0_i32 = arith.constant 0 : i32
    %c0_i32_0 = arith.constant 0 : i32
    %c0_i32_1 = arith.constant 0 : i32
    return %c0_i32, %c0_i32_0 : i32, i32
  }
  func.func @transform_3(%arg0: i32) -> (i32, i32) {
    %c0_i32 = arith.constant 0 : i32
    %c0_i32_0 = arith.constant 0 : i32
    return %arg0, %c0_i32 : i32, i32
  }
}

</mosaic_0001>

<sc_bundles>
// kernel: kernel.6.cloned.1.call-start
scs
__scs_entry_jumppad:
0x0: {  	(pc) =	sbr.rel $0x88, $3  }
0x1: {  	(tag) =	ssettag $0x0;
	lr =	simm.s32 $0x1  }
0x2: {  	[smem:$0x3F9B] =	sst lr;
	_ =	strace $0xD0000000  }
0x3: {  	_ = 	snop  }
0x4: {  	_ = 	snop  }
0x5: {  	_ = 	snop  }
0x6: {  	_ = 	snop  }
0x7: {  	_ = 	snop  }
__scs_overlays_trampoline_lowered:
0x8: {  	[smem:$0x3FAA] =	sst s0  }
0x9: {  	[smem:$0x3FAB] =	sst s1  }
0xa: {  	[smem:$0x3FAC] =	sst s2  }
0xb: {  	[smem:$0x3FAD] =	sst s3  }
0xc: {  	[smem:$0x3FAE] =	sst s4  }
0xd: {  	[smem:$0x3FAF] =	sst s5  }
0xe: {  	[smem:$0x3FB0] =	sst s6  }
0xf: {  	[smem:$0x3FB1] =	sst s7  }
0x10: {  	[smem:$0x3FB2] =	sst s8  }
0x11: {  	[smem:$0x3FB3] =	sst s9;
	s0 =	simm.s32 @!p0 $0x0  }
0x12: {  	s1 =	sld [smem:$0x3F99];
	s0 =	simm.s32 @p0 $0x1  }
0x13: {  	[smem:$0x3FB4] =	sst s0;
	s0 =	simm.s32 @!p1 $0x0  }
0x14: {  	s2 =	sld [smem:$0x3F98];
	s0 =	simm.s32 @p1 $0x1  }
0x15: {  	[smem:$0x3FB5] =	sst s0;
	s0 =	simm.s32 @!p2 $0x0  }
0x16: {  	s3 =	sld [smem:$0x3FDB];
	s0 =	simm.s32 @p2 $0x1  }
0x17: {  	s4 =	simm.s32 $0x1BF5;
	[smem:$0x3FB7] =	sst s0  }
0x18: {  	s0 =	sld [smem:$0x3F9A];
	_ =	swait.ge [sflag:s4], $0x0  }
0x19: {  	s7 =	sld [smem:$0x3F9B]  }
0x1a: {  	s8 =	sadd.s32 $0xFFFFE003, lr  }
0x1b: {  	s9 =	sadd.s32 $0xFFFFFEF7, lr;
	s5 =	simm.s32 $0xFFFFFFFF;
	p2 =	slt.u32 s8, $0xFFFFF086  }
0x1c: {  	p1 =	slt.u32 s9, $0xF7A;
	s5 =	simm.s32 @!p2 $0x0  }
0x1d: {  	s5 =	simm.s32 @p1 $0x1;
	p0 =	seq.s32 s7, s2  }
0x1e: {  	s7 =	smul.u32 @!p0 $0xF7A, s2;
	p2 =	seq.s32 @!p0 s5, $0x0  }
0x1f: {  	s9 =	smul.u32 $0xF7A, s1;
	s8 =	simm.s32 @!p0 $0x1BF5;
	p2 =	por !p2, p0  }
0x20: {  	[sflag:s8] =	ssyncset.s32 @!p0 $0xFFFFF086;
	s6 =	sadd.s32 @!p0 s3, s7;
	s7 =	simm.s32 @!p0 $0x108  }
0x21: {  	s3 =	sadd.s32 s3, s9;
	s6 =	sadd.s32 @!p0 $0x88, s6;
	s7 =	simm.s32 @p2 $0x1082  }
0x22: {  	[simem:s7], [sflag:s8] =	dma.local @!p0 [hbm:s6], $0xF7A  }
0x23: {  	s9 =	sor.u32 $0xD0000000, s2;
	s6 =	simm.s32 $0x108;
	_ =	swait.ge @!p0 [sflag:s8], $0x0  }
0x24: {  	s3 =	sadd.s32 $0x88, s3;
	s6 =	simm.s32 @!p1 $0x1082;
	[sflag:s4] =	ssyncset.s32 $0xFFFFF086  }
0x25: {  	[simem:s6], [sflag:s4] =	dma.local [hbm:s3], $0xF7A  }
0x26: {  	[smem:$0x3F9B] =	sst s1;
	(tag) =	ssettag s2;
	_ =	strace s9  }
0x27: {  	s1 =	sld [smem:$0x3FAB]  }
0x28: {  	s2 =	sld [smem:$0x3FAC]  }
0x29: {  	s4 =	sld [smem:$0x3FAE]  }
0x2a: {  	p0 =	seq.s32 s5, $0x0;
	s5 =	sld [smem:$0x3FAF]  }
0x2b: {  	s6 =	sld [smem:$0x3FB0]  }
0x2c: {  	s7 =	sld [smem:$0x3FB1]  }
0x2d: {  	s3 =	simm.s32 $0x108;
	s8 =	sld [smem:$0x3FB2]  }
0x2e: {  	s3 =	simm.s32 @!p0 $0x1082;
	s9 =	sld [smem:$0x3FB3]  }
0x2f: {  	lr =	sadd.s32 s0, s3;
	s0 =	sld [smem:$0x3FAA]  }
0x30: {  	s3 =	sld [smem:$0x3FAD]  }
0x31: {  	[smem:$0x3FB6] =	sst s10  }
0x32: {  	s10 =	sld [smem:$0x3FB4];
	_ =	sdelay $0x3  }
0x33: {  	p0 =	seq.s32 s10, $0x1;
	s10 =	sld [smem:$0x3FB6];
	_ =	sdelay $0x3  }
0x34: {  	[smem:$0x3FB6] =	sst s10  }
0x35: {  	s10 =	sld [smem:$0x3FB5];
	_ =	sdelay $0x3  }
0x36: {  	p1 =	seq.s32 s10, $0x1;
	s10 =	sld [smem:$0x3FB6];
	_ =	sdelay $0x3  }
0x37: {  	[smem:$0x3FB6] =	sst s10  }
0x38: {  	s10 =	sld [smem:$0x3FB7]  }
0x39: {  	_ = 	snop;
	(pc) =	sbr.ind lr, $3  }
0x3a: {  	_ = 	snop  }
0x3b: {  	_ = 	snop  }
0x3c: {  	p2 =	seq.s32 s10, $0x1;
	s10 =	sld [smem:$0x3FB6]  }
0x3d: {  	_ =	shalt  }
0x3e: {  	_ =	shalt  }
0x3f: {  	_ =	shalt  }
0x40: {  	_ =	shalt  }
0x41: {  	_ =	shalt  }
0x42: {  	_ =	shalt  }
0x43: {  	_ =	shalt  }
0x44: {  	_ =	shalt  }
0x45: {  	_ =	shalt  }
0x46: {  	_ =	shalt  }
0x47: {  	_ =	shalt  }
0x48: {  	_ =	shalt  }
0x49: {  	_ =	shalt  }
0x4a: {  	_ =	shalt  }
0x4b: {  	_ =	shalt  }
0x4c: {  	_ =	shalt  }
0x4d: {  	_ =	shalt  }
0x4e: {  	_ =	shalt  }
0x4f: {  	_ =	shalt  }
0x50: {  	_ =	shalt  }
0x51: {  	_ =	shalt  }
0x52: {  	_ =	shalt  }
0x53: {  	_ =	shalt  }
0x54: {  	_ =	shalt  }
0x55: {  	_ =	shalt  }
0x56: {  	_ =	shalt  }
0x57: {  	_ =	shalt  }
0x58: {  	_ =	shalt  }
0x59: {  	_ =	shalt  }
0x5a: {  	_ =	shalt  }
0x5b: {  	_ =	shalt  }
0x5c: {  	_ =	shalt  }
0x5d: {  	_ =	shalt  }
0x5e: {  	_ =	shalt  }
0x5f: {  	_ =	shalt  }
0x60: {  	_ =	shalt  }
0x61: {  	_ =	shalt  }
0x62: {  	_ =	shalt  }
0x63: {  	_ =	shalt  }
0x64: {  	_ =	shalt  }
0x65: {  	_ =	shalt  }
0x66: {  	_ =	shalt  }
0x67: {  	_ =	shalt  }
0x68: {  	_ =	shalt  }
0x69: {  	_ =	shalt  }
0x6a: {  	_ =	shalt  }
0x6b: {  	_ =	shalt  }
0x6c: {  	_ =	shalt  }
0x6d: {  	_ =	shalt  }
0x6e: {  	_ =	shalt  }
0x6f: {  	_ =	shalt  }
0x70: {  	_ =	shalt  }
0x71: {  	_ =	shalt  }
0x72: {  	_ =	shalt  }
0x73: {  	_ =	shalt  }
0x74: {  	_ =	shalt  }
0x75: {  	_ =	shalt  }
0x76: {  	_ =	shalt  }
0x77: {  	_ =	shalt  }
0x78: {  	_ =	shalt  }
0x79: {  	_ =	shalt  }
0x7a: {  	_ =	shalt  }
0x7b: {  	_ =	shalt  }
0x7c: {  	_ =	shalt  }
0x7d: {  	_ =	shalt  }
0x7e: {  	_ =	shalt  }
0x7f: {  	_ =	shalt  }
0x80: {  	_ =	shalt  }
0x81: {  	_ =	shalt  }
0x82: {  	_ =	shalt  }
0x83: {  	_ =	shalt  }
0x84: {  	_ =	shalt  }
0x85: {  	_ =	shalt  }
0x86: {  	_ =	shalt  }
0x87: {  	_ =	shalt  }
.Lfunc_end0:
.L_simem_size_0:
called_computation_lowered:
.L_overlay_start_0:
0x88: {  	s2 =	sld [smem:$0x3FD9]  }
0x89: {  	s3 =	sld [smem:$0x3FFE];
	_ =	sdelay $0x1  }
0x8a: {  	s1 =	srdreg.scid  }
0x8b: {  	s0 =	sand.u32 $0x1, s1  }
0x8c: {  	s17 =	sshll.u32 s0, $0xA;
	s2 =	sadd.s32 s3, s2  }
0x8d: {  	s2 =	sadd.s32 s2, s17  }
0x8e: {  	[smem:$0x3FC2] =	sst s2  }
0x8f: {  	_ = 	snop  }
0x90: {  	s2 =	sld [smem:$0x3FC9]  }
0x91: {  	s18 =	sld [smem:$0x3FD0];
	(tm) =	ssettm $0x1  }
0x92: {  	s4 =	sld [smem:$0x3FFB];
	_ =	sdelay $0x3  }
0x93: {  	_ =	strace s4  }
0x94: {  	s4 =	sld [smem:$0x3FFC];
	_ =	sdelay $0x3  }
0x95: {  	_ =	strace s4  }
0x96: {  	s4 =	sld [smem:$0x3FFD];
	_ =	sdelay $0x3  }
0x97: {  	_ =	strace s4  }
0x98: {  	_ =	strace $0x8FFFFFFF  }
0x99: {  	s19 =	sld [smem:$0x3FDB];
	_ =	sdelay $0x1  }
0x9a: {  	s5 =	simm.s32 $_scs_section_size  }
0x9b: {  	s6 =	simm.s32 $_size__tile_overlayer_lowered;
	s7 =	simm.s32 $_tile_overlayer_lowered  }
0x9c: {  	s22 =	simm.s32 $0x1BFF;
	s21 =	sshll.u32 s7, $0x1;
	s4 =	sadd.s32 s5, s19  }
0x9d: {  	s8 =	simm.s32 $0x0;
	s20 =	sshll.u32 s6, $0x1;
	s6 =	sadd.s32 s21, s4  }
0x9e: {  	[timem:s8], [sflag:s22] =	dma.local [hbm:s6], s20  }
0x9f: {  	_ =	swait.ge [sflag:s22], s20  }
0xa0: {  	s5 =	ssub.s32 $0x0, s20;
	[sflag:s22] =	ssyncset.done $0x0  }
0xa1: {  	[sflag:s22] =	ssyncadd.s32 s5;
	_ =	sdelay $0x1  }
0xa2: {  	s23 =	simm.s32 $0x1B8B  }
0xa3: {  	_ =	swait.ge [sflag:s23], $0x1  }
0xa4: {  	[sflag:s23] =	ssyncset.done $0x0  }
0xa5: {  	s25 =	simm.s32 $0x1B8E;
	s24 =	sld [smem:$0x3FFE];
	[sflag:s23] =	ssyncadd.s32 $0xFFFFFFFF  }
0xa6: {  	s26 =	simm.s32 $execute0_lowered;
	[smem:$0x3FD2] =	sst s25  }
0xa7: {  	s6 =	sshll.u32 s26, $0x1;
	_ =	strace $0x80000046;
	[dreg:$0x1] =	wrdreg $0xFFFFFFFF  }
0xa8: {  	s28 =	simm.s32 $_size_execute0_lowered;
	s4 =	sadd.s32 s4, s6;
	[dreg:$0x0] =	wrdreg $0x0  }
0xa9: {  	s6 =	sshll.u32 s28, $0x1;
	[dreg:$0x2] =	wrdreg s4  }
0xaa: {  	[dreg:$0x3] =	wrdreg s6  }
0xab: {  	[dreg:$0x4] =	wrdreg $0xC0  }
0xac: {  	_ =	task [dreg:s8], $0x5FFFF  }
0xad: {  	[dreg:$0x1] =	wrdreg $0xFFFFFFFF  }
0xae: {  	[dreg:$0x0] =	wrdreg $0x60  }
0xaf: {  	[dreg:$0x2] =	wrdreg s2  }
0xb0: {  	[dreg:$0x3] =	wrdreg s24  }
0xb1: {  	[dreg:$0x4] =	wrdreg s18  }
0xb2: {  	[dreg:$0x5] =	wrdreg $0xA8000  }
0xb3: {  	[dreg:$0x6] =	wrdreg $0x9  }
0xb4: {  	_ =	task.clear_ibuf [dreg:s8], $0x7FFFF;
	_ =	strace $0x90000046  }
0xb5: {  	s29 =	simm.s32 $0x9;
	_ =	strace $0x80000048  }
0xb6: {  	_ =	swait.ge [sflag:s29], $0x1  }
0xb7: {  	[sflag:s29] =	ssyncadd.s32 $0xFFFFFFFF  }
0xb8: {  	_ =	strace $0x90000048  }
0xb9: {  	_ =	sfence  }
0xba: {  	s30 =	sld [smem:$0x0];
	_ =	sdelay $0x2  }
0xbb: {  	s31 =	sshll.u32 s1, $0xD;
	s1 =	sshrl.u32 s1, $0x2  }
0xbc: {  	s3 =	sand.u32 $0x4000, s31;
	s1 =	sadd.s32 s1, s30  }
0xbd: {  	s0 =	sor.u32 s3, s0;
	s1 =	sshll.u32 s1, $0x11  }
0xbe: {  	s0 =	sor.u32 s1, s0  }
0xbf: {  	s0 =	sadd.s32 $0x8F2B, s0  }
0xc0: {  	[sflag:s0] =	ssyncadd.remote.s32 $0x1  }
0xc1: {  	_ =	sfence.sel $0xFFFF  }
0xc2: {  	[dreg:$0x0] =	wrdreg $0xFFFFFFFF;
	(pc) =	sbr.abs _section_cstart, $3  }
0xc3: {  	[dreg:$0x1] =	wrdreg $0xFFFFFFFF  }
0xc4: {  	_ =	task.clear_ibuf [dreg:s8], $0x2FFFF;
	_ =	strace $0x9FFFFFFF  }
0xc5: {  	(tm) =	ssettm $0x7FFFFFFF  }
tec
execute0_lowered:
.L_overlay_start_1:
0x0: {  	(tag) =	ssettag $0x1  }
0x1: {  	s1 =	rddreg [dreg:$0x0]  }
0x2: {  	s0 =	rddreg [dreg:$0x1]  }
0x3: {  	s11 =	rddreg [dreg:$0x2]  }
0x4: {  	s3 =	rddreg [dreg:$0x3]  }
0x5: {  	s2 =	stileid.u32;
	s5 =	srdreg.scid  }
0x6: {  	s4 =	simm.s32 $0x0;
	s20 =	simm.s32 $0x3;
	s21 =	simm.s32 $0x1400  }
0x7: {  	s28 =	simm.s32 $0x1380;
	s29 =	simm.s32 $0x2700;
	s30 =	simm.s32 $0x2780  }
0x8: {  	s31 =	simm.s32 $0x0;
	s8 =	smul.u32 $0x2800, s2;
	s10 =	sand.u32 $0x1, s5  }
0x9: {  	[smem:$0x7FF] =	sst s4;
	s12 =	sadd.s32 $0xE00, s0;
	p0 =	sne.s32 s2, $0xF  }
0xa: {  	s23 =	smul.u32 $0x50000, s2;
	p2 =	seq.s32 s2, $0xF;
	s17 =	sadd.s32 $0x12C000, s3  }
0xb: {  	s5 =	smul.u32 $0x28000, s10;
	_ =	strace $0x80000047;
	s7 =	ssub.s32 $0x2, s10  }
0xc: {  	s22 =	sshll.u32 s10, $0x4;
	p1 =	seq.s32 s10, $0x0;
	s6 =	sadd.s32 s8, s0  }
0xd: {  	s9 =	sshrl.u32 s7, $0x1;
	s24 =	sor.u32 s2, s22;
	p0 =	por !p1, !p0  }
0xe: {  	p1 =	por !p1, !p2;
	s25 =	sshrl.u32 s23, $0x2;
	s22 =	simm.s32 $0x7D  }
0xf: {  	s23 =	simm.s32 $0x2800;
	s5 =	sadd.s32 s8, s5;
	s14 =	ssub.s32 s7, s9  }
0x10: {  	p0 =	por !p0, !p0;
	p2 =	por !p1, !p1;
	s13 =	smul.u32 $0x500, s24  }
0x11: {  	s6 =	sadd.s32 $0xAE00, s6;
	s15 =	smul.u32 $0x2800, s24;
	s7 =	sadd.s32 $0x25800, s1  }
0x12: {  	s8 =	sadd.s32 s1, s8;
	s24 =	simm.s32 $0x1;
	s0 =	sadd.s32 s5, s0  }
0x13: {  	s5 =	sadd.s32 s25, s3;
	[dreg:$0x5] =	wrdreg s6;
	p1 =	por p2, p0  }
0x14: {  	s14 =	smax.u32 s14, $0x1;
	s25 =	simm.s32 $0x6800;
	s9 =	sadd.s32 s11, s13  }
0x15: {  	s15 =	sshrl.u32 s15, $0x3;
	p1 =	seq.s32 @!p1 s10, $0x0;
	s10 =	sadd.s32 s12, s13  }
0x16: {  	s13 =	sadd.s32 $0x32E00, s0;
	s19 =	sshrl.u32 @p0 s5, $0x3;
	p1 =	por @!p0 p1, p2  }
0x17: {  	s26 =	sadd.s32 $0x280, s15;
	p2 =	por !p2, p0;
	p1 =	por p1, p0  }
0x18: {  	s11 =	sadd.s32 s11, s26;
	s12 =	sadd.s32 s12, s26;
	s0 =	sshll.u32 @!p1 s2, $0x6  }
0x19: {  	s17 =	sshrl.u32 @!p2 s17, $0x3;
	s15 =	sor.u32 @!p1 $0x1C03, s0;
	s0 =	sshll.u32 @p0 s2, $0x6  }
0x1a: {  	s26 =	simm.s32 $0x2;
	s16 =	sshrl.u32 @!p1 s5, $0x3;
	s18 =	sor.u32 @p0 $0x1C03, s0  }
.LBB2_1:
0x1b: {  	s0 =	rddreg [dreg:$0x5]  }
0x1c: {  	[spmem:s16], [sflag:s15] =	dma.local @!p1 [hbm:s0], $0x2800  }
0x1d: {  	s0 =	simm.s32 @!p1 $0x3  }
0x1e: {  	_ =	swait.ge @!p1 [sflag:s0], $0x2800  }
0x1f: {  	[sflag:s0] =	ssyncset.done @!p1 $0x0  }
0x20: {  	[sflag:s0] =	ssyncadd.s32 @!p1 $0xFFFFD800;
	s0 =	simm.s32 @!p2 $0x1FC3  }
0x21: {  	[spmem:s17], [sflag:s0] =	dma.local @!p2 [hbm:s7], $0x1900  }
0x22: {  	s0 =	simm.s32 @!p2 $0x3  }
0x23: {  	_ =	swait.ge @!p2 [sflag:s0], $0x1900  }
0x24: {  	[sflag:s0] =	ssyncset.done @!p2 $0x0  }
0x25: {  	[sflag:s0] =	ssyncadd.s32 @!p2 $0xFFFFE700;
	s0 =	simm.s32 @p0 $0x3  }
0x26: {  	[spmem:s19], [sflag:s18] =	dma.local @p0 [hbm:s8], $0x2800  }
0x27: {  	_ =	swait.ge @p0 [sflag:s0], $0x2800  }
0x28: {  	[sflag:s0] =	ssyncset.done @p0 $0x0  }
0x29: {  	[sflag:s0] =	ssyncadd.s32 @p0 $0xFFFFD800  }
0x2a: {  	[tilespmem:s4], [sflag:$0x3] =	stream.linear.gather [hbm4b:s9+s4], $0x1400, $0x38;
	[tilespmem:$0x1E800] =	vst v63  }
0x2b: {  	_ =	swait.ge [sflag:s20], $0x1400  }
0x2c: {  	[sflag:s20] =	ssyncset.done $0x0  }
0x2d: {  	[sflag:s20] =	ssyncadd.s32 $0xFFFFEC00  }
0x2e: {  	[tilespmem:s21], [sflag:$0x3] =	stream.linear.gather [hbm4b:s10+s4], $0x1400, $0x38;
	[tilespmem:$0x1E800] =	vst v63  }
0x2f: {  	_ =	swait.ge [sflag:s20], $0x1400  }
0x30: {  	[sflag:s20] =	ssyncset.done $0x0  }
0x31: {  	[sflag:s20] =	ssyncadd.s32 $0xFFFFEC00  }
0x32: {  	[tilespmem:s23], [sflag:$0x1] =	stream.indirect.gather [hbm4b:s1+s22], $0x80, s4, s22, $0xb8;
	[tilespmem:$0x1E800] =	vst v63  }
0x33: {  	[bflag:$0x0] =	sbarrier.arrive $0xFFFF  }
0x34: {  	_ =	swait.ge [sflag:s24], $0x3E80  }
0x35: {  	[sflag:s24] =	ssyncset.done $0x0  }
0x36: {  	s2 =	simm.s32 $0x80;
	[sflag:s24] =	ssyncadd.s32 $0xFFFFC180  }
0x37: {  	[tilespmem:s25], [sflag:$0x2] =	stream.indirect.gather [hbm4b:s1+s22], $0x80, s2, s22, $0xb8;
	[tilespmem:$0x1E800] =	vst v63  }
0x38: {  	s6 =	simm.s32 $0x1400  }
0x39: {  	[spmem:s3] =	stream.indirect.scatter.add.f32 [tilespmem:s23], [sflag:$0x3], $0x80, s6, s22, $0xb8;
	[tilespmem:$0x1E800] =	vst v63  }
0x3a: {  	_ =	swait.ge [sflag:s20], $0x3E80  }
0x3b: {  	[sflag:s20] =	ssyncset.done $0x0  }
0x3c: {  	[sflag:s20] =	ssyncadd.s32 $0xFFFFC180  }
0x3d: {  	_ =	swait.ge [sflag:s26], $0x3E80  }
0x3e: {  	[sflag:s26] =	ssyncset.done $0x0  }
0x3f: {  	s2 =	simm.s32 $0x100;
	[sflag:s26] =	ssyncadd.s32 $0xFFFFC180  }
0x40: {  	[tilespmem:s23], [sflag:$0x1] =	stream.indirect.gather [hbm4b:s1+s22], $0x80, s2, s22, $0xb8;
	[tilespmem:$0x1E800] =	vst v63  }
0x41: {  	s6 =	simm.s32 $0x1480  }
0x42: {  	[spmem:s3] =	stream.indirect.scatter.add.f32 [tilespmem:s25], [sflag:$0x3], $0x80, s6, s22, $0xb8;
	[tilespmem:$0x1E800] =	vst v63  }
0x43: {  	_ =	swait.ge [sflag:s20], $0x3E80  }
0x44: {  	s0 =	simm.s32 $0x400;
	[sflag:s20] =	ssyncset.done $0x0  }
.LBB2_2:
0x45: {  	p3 =	sne.s32 s0, $0x4800  }
0x46: {  	[sflag:s20] =	ssyncadd.s32 $0xFFFFC180;
	s2 =	smov.u32 s0;
	s0 =	sadd.s32 $0x400, s0  }
0x47: {  	_ = 	snop  }
0x48: {  	_ =	swait.ge [sflag:s24], $0x3E80  }
0x49: {  	s2 =	sshra.s32 s2, $0x2;
	[sflag:s24] =	ssyncset.done $0x0  }
0x4a: {  	s6 =	sadd.s32 $0x80, s2;
	[sflag:s24] =	ssyncadd.s32 $0xFFFFC180  }
0x4b: {  	[tilespmem:s25], [sflag:$0x2] =	stream.indirect.gather [hbm4b:s1+s22], $0x80, s6, s22, $0xb8;
	[tilespmem:$0x1E800] =	vst v63  }
0x4c: {  	s6 =	sadd.s32 $0x1400, s2  }
0x4d: {  	[spmem:s3] =	stream.indirect.scatter.add.f32 [tilespmem:s23], [sflag:$0x3], $0x80, s6, s22, $0xb8;
	[tilespmem:$0x1E800] =	vst v63  }
0x4e: {  	_ =	swait.ge [sflag:s20], $0x3E80  }
0x4f: {  	[sflag:s20] =	ssyncset.done $0x0  }
0x50: {  	[sflag:s20] =	ssyncadd.s32 $0xFFFFC180  }
0x51: {  	_ =	swait.ge [sflag:s26], $0x3E80  }
0x52: {  	[sflag:s26] =	ssyncset.done $0x0  }
0x53: {  	s6 =	sadd.s32 $0x100, s2;
	[sflag:s26] =	ssyncadd.s32 $0xFFFFC180  }
0x54: {  	[tilespmem:s23], [sflag:$0x1] =	stream.indirect.gather [hbm4b:s1+s22], $0x80, s6, s22, $0xb8;
	[tilespmem:$0x1E800] =	vst v63  }
.Ltmp0:
0x55: {  	_ = 	snop;
	(pc) =	sbr.rel @p3 .LBB2_2-.Ltmp0, $4  }
0x56: {  	s2 =	sadd.s32 $0x1480, s2  }
0x57: {  	[spmem:s3] =	stream.indirect.scatter.add.f32 [tilespmem:s25], [sflag:$0x3], $0x80, s2, s22, $0xb8;
	[tilespmem:$0x1E800] =	vst v63  }
0x58: {  	_ =	swait.ge [sflag:s20], $0x3E80  }
0x59: {  	[sflag:s20] =	ssyncset.done $0x0  }
0x5a: {  	[sflag:s20] =	ssyncadd.s32 $0xFFFFC180  }
0x5b: {  	_ =	swait.ge [sflag:s24], $0x3E80  }
0x5c: {  	[sflag:s24] =	ssyncset.done $0x0  }
0x5d: {  	[sflag:s24] =	ssyncadd.s32 $0xFFFFC180  }
0x5e: {  	[tilespmem:s25], [sflag:$0x2] =	stream.indirect.gather [hbm4b:s1+s22], $0x80, s28, s22, $0xb8;
	[tilespmem:$0x1E800] =	vst v63  }
0x5f: {  	_ = 	snop  }
0x60: {  	[spmem:s3] =	stream.indirect.scatter.add.f32 [tilespmem:s23], [sflag:$0x3], $0x80, s29, s22, $0xb8;
	[tilespmem:$0x1E800] =	vst v63  }
0x61: {  	_ =	swait.ge [sflag:s20], $0x3E80  }
0x62: {  	[sflag:s20] =	ssyncset.done $0x0  }
0x63: {  	[sflag:s20] =	ssyncadd.s32 $0xFFFFC180  }
0x64: {  	_ =	swait.ge [sflag:s26], $0x3E80  }
0x65: {  	[sflag:s26] =	ssyncset.done $0x0  }
0x66: {  	[sflag:s26] =	ssyncadd.s32 $0xFFFFC180  }
0x67: {  	[spmem:s3] =	stream.indirect.scatter.add.f32 [tilespmem:s25], [sflag:$0x3], $0x80, s30, s22, $0xb8;
	[tilespmem:$0x1E800] =	vst v63  }
0x68: {  	_ =	swait.ge [sflag:s20], $0x3E80  }
0x69: {  	[sflag:s20] =	ssyncset.done $0x0  }
0x6a: {  	s0 =	simm.s32 $0x0;
	[sflag:s20] =	ssyncadd.s32 $0xFFFFC180  }
0x6b: {  	[tilespmem:s0], [sflag:$0x3] =	stream.linear.gather [hbm4b:s11+s0], $0x1400, $0x38;
	[tilespmem:$0x1E800] =	vst v63  }
0x6c: {  	_ =	swait.ge [sflag:s20], $0x1400  }
0x6d: {  	[sflag:s20] =	ssyncset.done $0x0  }
0x6e: {  	[sflag:s20] =	ssyncadd.s32 $0xFFFFEC00  }
0x6f: {  	[tilespmem:s21], [sflag:$0x3] =	stream.linear.gather [hbm4b:s12+s0], $0x1400, $0x38;
	[tilespmem:$0x1E800] =	vst v63  }
0x70: {  	_ =	swait.ge [sflag:s20], $0x1400  }
0x71: {  	[sflag:s20] =	ssyncset.done $0x0  }
0x72: {  	[sflag:s20] =	ssyncadd.s32 $0xFFFFEC00  }
0x73: {  	[tilespmem:s23], [sflag:$0x1] =	stream.indirect.gather [hbm4b:s1+s22], $0x80, s0, s22, $0xb8;
	[tilespmem:$0x1E800] =	vst v63  }
0x74: {  	_ =	swait.ge [sflag:s24], $0x3E80  }
0x75: {  	[sflag:s24] =	ssyncset.done $0x0  }
0x76: {  	s2 =	simm.s32 $0x80;
	[sflag:s24] =	ssyncadd.s32 $0xFFFFC180  }
0x77: {  	[tilespmem:s25], [sflag:$0x2] =	stream.indirect.gather [hbm4b:s1+s22], $0x80, s2, s22, $0xb8;
	[tilespmem:$0x1E800] =	vst v63  }
0x78: {  	s6 =	simm.s32 $0x1400  }
0x79: {  	[spmem:s3] =	stream.indirect.scatter.add.f32 [tilespmem:s23], [sflag:$0x3], $0x80, s6, s22, $0xb8;
	[tilespmem:$0x1E800] =	vst v63  }
0x7a: {  	_ =	swait.ge [sflag:s20], $0x3E80  }
0x7b: {  	[sflag:s20] =	ssyncset.done $0x0  }
0x7c: {  	[sflag:s20] =	ssyncadd.s32 $0xFFFFC180  }
0x7d: {  	_ =	swait.ge [sflag:s26], $0x3E80  }
0x7e: {  	[sflag:s26] =	ssyncset.done $0x0  }
0x7f: {  	s2 =	simm.s32 $0x100;
	[sflag:s26] =	ssyncadd.s32 $0xFFFFC180  }
0x80: {  	[tilespmem:s23], [sflag:$0x1] =	stream.indirect.gather [hbm4b:s1+s22], $0x80, s2, s22, $0xb8;
	[tilespmem:$0x1E800] =	vst v63  }
0x81: {  	s6 =	simm.s32 $0x1480  }
0x82: {  	[spmem:s3] =	stream.indirect.scatter.add.f32 [tilespmem:s25], [sflag:$0x3], $0x80, s6, s22, $0xb8;
	[tilespmem:$0x1E800] =	vst v63  }
0x83: {  	_ =	swait.ge [sflag:s20], $0x3E80  }
0x84: {  	s0 =	simm.s32 $0x400;
	[sflag:s20] =	ssyncset.done $0x0  }
.LBB2_4:
0x85: {  	p3 =	sne.s32 s0, $0x4800  }
0x86: {  	[sflag:s20] =	ssyncadd.s32 $0xFFFFC180;
	s2 =	smov.u32 s0;
	s0 =	sadd.s32 $0x400, s0  }
0x87: {  	_ = 	snop  }
0x88: {  	_ =	swait.ge [sflag:s24], $0x3E80  }
0x89: {  	s2 =	sshra.s32 s2, $0x2;
	[sflag:s24] =	ssyncset.done $0x0  }
0x8a: {  	s6 =	sadd.s32 $0x80, s2;
	[sflag:s24] =	ssyncadd.s32 $0xFFFFC180  }
0x8b: {  	[tilespmem:s25], [sflag:$0x2] =	stream.indirect.gather [hbm4b:s1+s22], $0x80, s6, s22, $0xb8;
	[tilespmem:$0x1E800] =	vst v63  }
0x8c: {  	s6 =	sadd.s32 $0x1400, s2  }
0x8d: {  	[spmem:s3] =	stream.indirect.scatter.add.f32 [tilespmem:s23], [sflag:$0x3], $0x80, s6, s22, $0xb8;
	[tilespmem:$0x1E800] =	vst v63  }
0x8e: {  	_ =	swait.ge [sflag:s20], $0x3E80  }
0x8f: {  	[sflag:s20] =	ssyncset.done $0x0  }
0x90: {  	[sflag:s20] =	ssyncadd.s32 $0xFFFFC180  }
0x91: {  	_ =	swait.ge [sflag:s26], $0x3E80  }
0x92: {  	[sflag:s26] =	ssyncset.done $0x0  }
0x93: {  	s6 =	sadd.s32 $0x100, s2;
	[sflag:s26] =	ssyncadd.s32 $0xFFFFC180  }
0x94: {  	[tilespmem:s23], [sflag:$0x1] =	stream.indirect.gather [hbm4b:s1+s22], $0x80, s6, s22, $0xb8;
	[tilespmem:$0x1E800] =	vst v63  }
.Ltmp1:
0x95: {  	_ = 	snop;
	(pc) =	sbr.rel @p3 .LBB2_4-.Ltmp1, $4  }
0x96: {  	s2 =	sadd.s32 $0x1480, s2  }
0x97: {  	[spmem:s3] =	stream.indirect.scatter.add.f32 [tilespmem:s25], [sflag:$0x3], $0x80, s2, s22, $0xb8;
	[tilespmem:$0x1E800] =	vst v63  }
0x98: {  	_ =	swait.ge [sflag:s20], $0x3E80  }
0x99: {  	[sflag:s20] =	ssyncset.done $0x0  }
0x9a: {  	[sflag:s20] =	ssyncadd.s32 $0xFFFFC180  }
0x9b: {  	_ =	swait.ge [sflag:s24], $0x3E80  }
0x9c: {  	[sflag:s24] =	ssyncset.done $0x0  }
0x9d: {  	[sflag:s24] =	ssyncadd.s32 $0xFFFFC180  }
0x9e: {  	[tilespmem:s25], [sflag:$0x2] =	stream.indirect.gather [hbm4b:s1+s22], $0x80, s28, s22, $0xb8;
	[tilespmem:$0x1E800] =	vst v63  }
0x9f: {  	_ = 	snop  }
0xa0: {  	[spmem:s3] =	stream.indirect.scatter.add.f32 [tilespmem:s23], [sflag:$0x3], $0x80, s29, s22, $0xb8;
	[tilespmem:$0x1E800] =	vst v63  }
0xa1: {  	_ =	swait.ge [sflag:s20], $0x3E80  }
0xa2: {  	[sflag:s20] =	ssyncset.done $0x0  }
0xa3: {  	[sflag:s20] =	ssyncadd.s32 $0xFFFFC180  }
0xa4: {  	_ =	swait.ge [sflag:s26], $0x3E80  }
0xa5: {  	[sflag:s26] =	ssyncset.done $0x0  }
0xa6: {  	[sflag:s26] =	ssyncadd.s32 $0xFFFFC180  }
0xa7: {  	[spmem:s3] =	stream.indirect.scatter.add.f32 [tilespmem:s25], [sflag:$0x3], $0x80, s30, s22, $0xb8;
	[tilespmem:$0x1E800] =	vst v63  }
0xa8: {  	s0 =	stileid.u32;
	_ =	swait.ge [sflag:s20], $0x3E80  }
0xa9: {  	s2 =	sshrl.u32 s5, $0x3;
	s31 =	sadd.s32 $0x1, s31;
	[sflag:s20] =	ssyncset.done $0x0  }
0xaa: {  	s0 =	sshll.u32 s0, $0x6;
	p3 =	sne.s32 s31, s14;
	[sflag:s20] =	ssyncadd.s32 $0xFFFFC180  }
.Ltmp2:
0xab: {  	s0 =	sor.u32 $0x1C03, s0;
	[bflag:$0x0] =	sbarrier.arrive $0xFFFF;
	(pc) =	sbr.rel @p3 .LBB2_1-.Ltmp2, $4  }
0xac: {  	[hbm:s13], [sflag:s0] =	dma.local [spmem:s2], $0x2800  }
0xad: {  	_ =	swait.ge [sflag:s20], $0x2800  }
0xae: {  	[sflag:s20] =	ssyncset.done $0x0  }
0xaf: {  	[sflag:s20] =	ssyncadd.s32 $0xFFFFD800  }
0xb0: {  	_ =	sfence.sel $0x180000  }
0xb1: {  	[bflag:$0x0] =	sbarrier.arrive $0xFFFF  }
0xb2: {  	_ =	strace $0x90000047  }
0xb3: {  	s0 =	stileid.u32;
	[bflag:$0x2] =	sbarrier.arrive $0xFFFF  }
0xb4: {  	p0 =	sne.s32 s0, $0x0;
	s0 =	rddreg [dreg:$0x4]  }
0xb5: {  	s0 =	sadd.s32 @!p0 $0x100000, s0  }
0xb6: {  	[sflag:s0] =	ssyncadd.tile.s32 @!p0 $0x1;
	_ =	shalt  }
.Lfunc_end2:
_tile_overlayer_lowered:
.L_overlay_start_2:
0xb7: {  	(tag) =	ssettag $0x2  }
0xb8: {  	s0 =	rddreg [dreg:$0x0];
	s2 =	stileid.u32  }
0xb9: {  	s1 =	rddreg [dreg:$0x1];
	p0 =	sne.s32 s2, $0x0  }
0xba: {  	s3 =	rddreg [dreg:$0x2];
	[bflag:$0x3] =	sbarrier.arrive $0xFFFF;
	s2 =	simm.s32 @!p0 $0x1C03  }
0xbb: {  	[timem:s3], [sflag:s2] =	dma.local @!p0 [hbm:s0], s1  }
0xbc: {  	s0 =	simm.s32 @!p0 $0x3  }
0xbd: {  	_ =	swait.ge @!p0 [sflag:s0], s1  }
0xbe: {  	s1 =	ssub.s32 @!p0 $0x0, s1;
	[sflag:s0] =	ssyncset.done @!p0 $0x0  }
0xbf: {  	[sflag:s0] =	ssyncadd.s32 @!p0 s1  }
0xc0: {  	[bflag:$0x3] =	sbarrier.arrive $0xFFFF  }
0xc1: {  	_ =	shalt  }

// kernel: kernel.9.cloned.1.call-start
scs
__scs_entry_jumppad:
0x0: {  	(pc) =	sbr.rel $0x88, $3  }
0x1: {  	(tag) =	ssettag $0x0;
	lr =	simm.s32 $0x1  }
0x2: {  	[smem:$0x3F9B] =	sst lr;
	_ =	strace $0xD0000000  }
0x3: {  	_ = 	snop  }
0x4: {  	_ = 	snop  }
0x5: {  	_ = 	snop  }
0x6: {  	_ = 	snop  }
0x7: {  	_ = 	snop  }
__scs_overlays_trampoline_lowered:
0x8: {  	[smem:$0x3FAA] =	sst s0  }
0x9: {  	[smem:$0x3FAB] =	sst s1  }
0xa: {  	[smem:$0x3FAC] =	sst s2  }
0xb: {  	[smem:$0x3FAD] =	sst s3  }
0xc: {  	[smem:$0x3FAE] =	sst s4  }
0xd: {  	[smem:$0x3FAF] =	sst s5  }
0xe: {  	[smem:$0x3FB0] =	sst s6  }
0xf: {  	[smem:$0x3FB1] =	sst s7  }
0x10: {  	[smem:$0x3FB2] =	sst s8  }
0x11: {  	[smem:$0x3FB3] =	sst s9;
	s0 =	simm.s32 @!p0 $0x0  }
0x12: {  	s1 =	sld [smem:$0x3F99];
	s0 =	simm.s32 @p0 $0x1  }
0x13: {  	[smem:$0x3FB4] =	sst s0;
	s0 =	simm.s32 @!p1 $0x0  }
0x14: {  	s2 =	sld [smem:$0x3F98];
	s0 =	simm.s32 @p1 $0x1  }
0x15: {  	[smem:$0x3FB5] =	sst s0;
	s0 =	simm.s32 @!p2 $0x0  }
0x16: {  	s3 =	sld [smem:$0x3FDB];
	s0 =	simm.s32 @p2 $0x1  }
0x17: {  	s4 =	simm.s32 $0x1BF5;
	[smem:$0x3FB7] =	sst s0  }
0x18: {  	s0 =	sld [smem:$0x3F9A];
	_ =	swait.ge [sflag:s4], $0x0  }
0x19: {  	s7 =	sld [smem:$0x3F9B]  }
0x1a: {  	s8 =	sadd.s32 $0xFFFFE003, lr  }
0x1b: {  	s9 =	sadd.s32 $0xFFFFFEF7, lr;
	s5 =	simm.s32 $0xFFFFFFFF;
	p2 =	slt.u32 s8, $0xFFFFF086  }
0x1c: {  	p1 =	slt.u32 s9, $0xF7A;
	s5 =	simm.s32 @!p2 $0x0  }
0x1d: {  	s5 =	simm.s32 @p1 $0x1;
	p0 =	seq.s32 s7, s2  }
0x1e: {  	s7 =	smul.u32 @!p0 $0xF7A, s2;
	p2 =	seq.s32 @!p0 s5, $0x0  }
0x1f: {  	s9 =	smul.u32 $0xF7A, s1;
	s8 =	simm.s32 @!p0 $0x1BF5;
	p2 =	por !p2, p0  }
0x20: {  	[sflag:s8] =	ssyncset.s32 @!p0 $0xFFFFF086;
	s6 =	sadd.s32 @!p0 s3, s7;
	s7 =	simm.s32 @!p0 $0x108  }
0x21: {  	s3 =	sadd.s32 s3, s9;
	s6 =	sadd.s32 @!p0 $0x88, s6;
	s7 =	simm.s32 @p2 $0x1082  }
0x22: {  	[simem:s7], [sflag:s8] =	dma.local @!p0 [hbm:s6], $0xF7A  }
0x23: {  	s9 =	sor.u32 $0xD0000000, s2;
	s6 =	simm.s32 $0x108;
	_ =	swait.ge @!p0 [sflag:s8], $0x0  }
0x24: {  	s3 =	sadd.s32 $0x88, s3;
	s6 =	simm.s32 @!p1 $0x1082;
	[sflag:s4] =	ssyncset.s32 $0xFFFFF086  }
0x25: {  	[simem:s6], [sflag:s4] =	dma.local [hbm:s3], $0xF7A  }
0x26: {  	[smem:$0x3F9B] =	sst s1;
	(tag) =	ssettag s2;
	_ =	strace s9  }
0x27: {  	s1 =	sld [smem:$0x3FAB]  }
0x28: {  	s2 =	sld [smem:$0x3FAC]  }
0x29: {  	s4 =	sld [smem:$0x3FAE]  }
0x2a: {  	p0 =	seq.s32 s5, $0x0;
	s5 =	sld [smem:$0x3FAF]  }
0x2b: {  	s6 =	sld [smem:$0x3FB0]  }
0x2c: {  	s7 =	sld [smem:$0x3FB1]  }
0x2d: {  	s3 =	simm.s32 $0x108;
	s8 =	sld [smem:$0x3FB2]  }
0x2e: {  	s3 =	simm.s32 @!p0 $0x1082;
	s9 =	sld [smem:$0x3FB3]  }
0x2f: {  	lr =	sadd.s32 s0, s3;
	s0 =	sld [smem:$0x3FAA]  }
0x30: {  	s3 =	sld [smem:$0x3FAD]  }
0x31: {  	[smem:$0x3FB6] =	sst s10  }
0x32: {  	s10 =	sld [smem:$0x3FB4];
	_ =	sdelay $0x3  }
0x33: {  	p0 =	seq.s32 s10, $0x1;
	s10 =	sld [smem:$0x3FB6];
	_ =	sdelay $0x3  }
0x34: {  	[smem:$0x3FB6] =	sst s10  }
0x35: {  	s10 =	sld [smem:$0x3FB5];
	_ =	sdelay $0x3  }
0x36: {  	p1 =	seq.s32 s10, $0x1;
	s10 =	sld [smem:$0x3FB6];
	_ =	sdelay $0x3  }
0x37: {  	[smem:$0x3FB6] =	sst s10  }
0x38: {  	s10 =	sld [smem:$0x3FB7]  }
0x39: {  	_ = 	snop;
	(pc) =	sbr.ind lr, $3  }
0x3a: {  	_ = 	snop  }
0x3b: {  	_ = 	snop  }
0x3c: {  	p2 =	seq.s32 s10, $0x1;
	s10 =	sld [smem:$0x3FB6]  }
0x3d: {  	_ =	shalt  }
0x3e: {  	_ =	shalt  }
0x3f: {  	_ =	shalt  }
0x40: {  	_ =	shalt  }
0x41: {  	_ =	shalt  }
0x42: {  	_ =	shalt  }
0x43: {  	_ =	shalt  }
0x44: {  	_ =	shalt  }
0x45: {  	_ =	shalt  }
0x46: {  	_ =	shalt  }
0x47: {  	_ =	shalt  }
0x48: {  	_ =	shalt  }
0x49: {  	_ =	shalt  }
0x4a: {  	_ =	shalt  }
0x4b: {  	_ =	shalt  }
0x4c: {  	_ =	shalt  }
0x4d: {  	_ =	shalt  }
0x4e: {  	_ =	shalt  }
0x4f: {  	_ =	shalt  }
0x50: {  	_ =	shalt  }
0x51: {  	_ =	shalt  }
0x52: {  	_ =	shalt  }
0x53: {  	_ =	shalt  }
0x54: {  	_ =	shalt  }
0x55: {  	_ =	shalt  }
0x56: {  	_ =	shalt  }
0x57: {  	_ =	shalt  }
0x58: {  	_ =	shalt  }
0x59: {  	_ =	shalt  }
0x5a: {  	_ =	shalt  }
0x5b: {  	_ =	shalt  }
0x5c: {  	_ =	shalt  }
0x5d: {  	_ =	shalt  }
0x5e: {  	_ =	shalt  }
0x5f: {  	_ =	shalt  }
0x60: {  	_ =	shalt  }
0x61: {  	_ =	shalt  }
0x62: {  	_ =	shalt  }
0x63: {  	_ =	shalt  }
0x64: {  	_ =	shalt  }
0x65: {  	_ =	shalt  }
0x66: {  	_ =	shalt  }
0x67: {  	_ =	shalt  }
0x68: {  	_ =	shalt  }
0x69: {  	_ =	shalt  }
0x6a: {  	_ =	shalt  }
0x6b: {  	_ =	shalt  }
0x6c: {  	_ =	shalt  }
0x6d: {  	_ =	shalt  }
0x6e: {  	_ =	shalt  }
0x6f: {  	_ =	shalt  }
0x70: {  	_ =	shalt  }
0x71: {  	_ =	shalt  }
0x72: {  	_ =	shalt  }
0x73: {  	_ =	shalt  }
0x74: {  	_ =	shalt  }
0x75: {  	_ =	shalt  }
0x76: {  	_ =	shalt  }
0x77: {  	_ =	shalt  }
0x78: {  	_ =	shalt  }
0x79: {  	_ =	shalt  }
0x7a: {  	_ =	shalt  }
0x7b: {  	_ =	shalt  }
0x7c: {  	_ =	shalt  }
0x7d: {  	_ =	shalt  }
0x7e: {  	_ =	shalt  }
0x7f: {  	_ =	shalt  }
0x80: {  	_ =	shalt  }
0x81: {  	_ =	shalt  }
0x82: {  	_ =	shalt  }
0x83: {  	_ =	shalt  }
0x84: {  	_ =	shalt  }
0x85: {  	_ =	shalt  }
0x86: {  	_ =	shalt  }
0x87: {  	_ =	shalt  }
.Lfunc_end0:
.L_simem_size_0:
called_computation.1_lowered:
.L_overlay_start_0:
0x88: {  	s2 =	sld [smem:$0x3FD9]  }
0x89: {  	s3 =	sld [smem:$0x3FFE];
	_ =	sdelay $0x1  }
0x8a: {  	s1 =	srdreg.scid  }
0x8b: {  	s0 =	sand.u32 $0x1, s1  }
0x8c: {  	s17 =	sshll.u32 s0, $0xA;
	s2 =	sadd.s32 s3, s2  }
0x8d: {  	s2 =	sadd.s32 s2, s17  }
0x8e: {  	[smem:$0x3FC2] =	sst s2  }
0x8f: {  	_ = 	snop  }
0x90: {  	s2 =	sld [smem:$0x3FD0];
	(tm) =	ssettm $0x1  }
0x91: {  	s18 =	sld [smem:$0x3FFB];
	_ =	sdelay $0x3  }
0x92: {  	_ =	strace s18  }
0x93: {  	s3 =	sld [smem:$0x3FFC];
	_ =	sdelay $0x3  }
0x94: {  	_ =	strace s3  }
0x95: {  	s3 =	sld [smem:$0x3FFD];
	_ =	sdelay $0x3  }
0x96: {  	_ =	strace s3  }
0x97: {  	_ =	strace $0x8FFFFFFF  }
0x98: {  	s19 =	sld [smem:$0x3FDB];
	_ =	sdelay $0x1  }
0x99: {  	s4 =	simm.s32 $_scs_section_size  }
0x9a: {  	s5 =	simm.s32 $_size__tile_overlayer_lowered;
	s6 =	simm.s32 $_tile_overlayer_lowered  }
0x9b: {  	s22 =	simm.s32 $0x1BFF;
	s21 =	sshll.u32 s6, $0x1;
	s3 =	sadd.s32 s4, s19  }
0x9c: {  	s7 =	simm.s32 $0x0;
	s20 =	sshll.u32 s5, $0x1;
	s5 =	sadd.s32 s21, s3  }
0x9d: {  	[timem:s7], [sflag:s22] =	dma.local [hbm:s5], s20  }
0x9e: {  	_ =	swait.ge [sflag:s22], s20  }
0x9f: {  	s4 =	ssub.s32 $0x0, s20;
	[sflag:s22] =	ssyncset.done $0x0  }
0xa0: {  	[sflag:s22] =	ssyncadd.s32 s4;
	_ =	sdelay $0x1  }
0xa1: {  	s23 =	simm.s32 $0x1B8B  }
0xa2: {  	_ =	swait.ge [sflag:s23], $0x1  }
0xa3: {  	[sflag:s23] =	ssyncset.done $0x0  }
0xa4: {  	s25 =	simm.s32 $0x1B8E;
	s24 =	sld [smem:$0x3FFE];
	[sflag:s23] =	ssyncadd.s32 $0xFFFFFFFF  }
0xa5: {  	s26 =	simm.s32 $execute0_lowered;
	[smem:$0x3FD2] =	sst s25  }
0xa6: {  	s5 =	sshll.u32 s26, $0x1;
	_ =	strace $0x80000049;
	[dreg:$0x1] =	wrdreg $0xFFFFFFFF  }
0xa7: {  	s28 =	simm.s32 $_size_execute0_lowered;
	s3 =	sadd.s32 s3, s5;
	[dreg:$0x0] =	wrdreg $0x0  }
0xa8: {  	s5 =	sshll.u32 s28, $0x1;
	[dreg:$0x2] =	wrdreg s3  }
0xa9: {  	[dreg:$0x3] =	wrdreg s5  }
0xaa: {  	[dreg:$0x4] =	wrdreg $0xC0  }
0xab: {  	_ =	task [dreg:s7], $0x5FFFF  }
0xac: {  	[dreg:$0x1] =	wrdreg $0xFFFFFFFF  }
0xad: {  	[dreg:$0x0] =	wrdreg $0x60  }
0xae: {  	[dreg:$0x2] =	wrdreg s24  }
0xaf: {  	[dreg:$0x3] =	wrdreg s2  }
0xb0: {  	[dreg:$0x4] =	wrdreg $0xA8000  }
0xb1: {  	[dreg:$0x5] =	wrdreg $0x9  }
0xb2: {  	_ =	task.clear_ibuf [dreg:s7], $0x6FFFF;
	_ =	strace $0x90000049  }
0xb3: {  	s29 =	simm.s32 $0x9;
	_ =	strace $0x8000004B  }
0xb4: {  	_ =	swait.ge [sflag:s29], $0x1  }
0xb5: {  	[sflag:s29] =	ssyncadd.s32 $0xFFFFFFFF  }
0xb6: {  	_ =	strace $0x9000004B  }
0xb7: {  	_ =	sfence  }
0xb8: {  	s30 =	sld [smem:$0x0];
	_ =	sdelay $0x2  }
0xb9: {  	s31 =	sshll.u32 s1, $0xD;
	s1 =	sshrl.u32 s1, $0x2  }
0xba: {  	s3 =	sand.u32 $0x4000, s31;
	s1 =	sadd.s32 s1, s30  }
0xbb: {  	s0 =	sor.u32 s3, s0;
	s1 =	sshll.u32 s1, $0x11  }
0xbc: {  	s0 =	sor.u32 s1, s0  }
0xbd: {  	s0 =	sadd.s32 $0x8F2B, s0  }
0xbe: {  	[sflag:s0] =	ssyncadd.remote.s32 $0x1  }
0xbf: {  	_ =	sfence.sel $0xFFFF  }
0xc0: {  	[dreg:$0x0] =	wrdreg $0xFFFFFFFF;
	(pc) =	sbr.abs _section_cstart, $3  }
0xc1: {  	[dreg:$0x1] =	wrdreg $0xFFFFFFFF  }
0xc2: {  	_ =	task.clear_ibuf [dreg:s7], $0x2FFFF;
	_ =	strace $0x9FFFFFFF  }
0xc3: {  	(tm) =	ssettm $0x7FFFFFFF  }
tec
execute0_lowered:
.L_overlay_start_1:
0x0: {  	(tag) =	ssettag $0x1  }
0x1: {  	s5 =	rddreg [dreg:$0x0]  }
0x2: {  	s7 =	rddreg [dreg:$0x1]  }
0x3: {  	s1 =	rddreg [dreg:$0x2]  }
0x4: {  	s0 =	rddreg [dreg:$0x3]  }
0x5: {  	s2 =	simm.s32 $0x0;
	s6 =	srdreg.scid;
	s3 =	stileid.u32  }
0x6: {  	s17 =	simm.s32 $0x2800;
	s18 =	simm.s32 $0x1;
	s19 =	simm.s32 $0x6800  }
0x7: {  	s20 =	simm.s32 $0x2;
	s21 =	simm.s32 $0x1380;
	s22 =	simm.s32 $0x2700  }
0x8: {  	s23 =	simm.s32 $0x2780;
	s24 =	simm.s32 $0x0;
	[smem:$0x7FF] =	sst s2  }
0x9: {  	s4 =	sadd.s32 $0x32E00, s5;
	s11 =	sadd.s32 $0xAE00, s5;
	s12 =	smul.u32 $0x2800, s3  }
0xa: {  	s6 =	sand.u32 $0x1, s6;
	s8 =	sadd.s32 $0xE00, s5;
	s14 =	smul.u32 $0x50000, s3  }
0xb: {  	s31 =	sshll.u32 s3, $0x6;
	_ =	strace $0x8000004A;
	s9 =	smul.u32 $0x28000, s6  }
0xc: {  	s10 =	sshll.u32 s6, $0x4;
	s13 =	ssub.s32 $0x2, s6;
	p0 =	seq.s32 s6, $0x0  }
0xd: {  	s10 =	sor.u32 s3, s10;
	s15 =	sshrl.u32 s13, $0x1;
	s28 =	sshrl.u32 s14, $0x2  }
0xe: {  	s11 =	smov.u32 @p0 s4;
	s9 =	sadd.s32 s12, s9;
	s16 =	smul.u32 $0x2800, s10  }
0xf: {  	s13 =	ssub.s32 s13, s15;
	s10 =	smul.u32 $0x500, s10;
	s14 =	sadd.s32 s28, s1  }
0x10: {  	s11 =	sadd.s32 s11, s12;
	s12 =	sor.u32 $0x1C03, s31;
	s15 =	simm.s32 $0x1400  }
0x11: {  	s9 =	sadd.s32 s9, s5;
	s29 =	sshrl.u32 s16, $0x3;
	s5 =	sadd.s32 s7, s10  }
0x12: {  	s6 =	sadd.s32 s8, s10;
	s9 =	sadd.s32 $0x5AE00, s9;
	s10 =	smax.u32 s13, $0x1  }
0x13: {  	s13 =	sshrl.u32 s14, $0x3;
	s14 =	simm.s32 $0x3;
	s30 =	sadd.s32 $0x280, s29  }
0x14: {  	s16 =	simm.s32 $0x7D;
	s7 =	sadd.s32 s7, s30;
	s8 =	sadd.s32 s8, s30  }
.LBB2_1:
0x15: {  	[spmem:s13], [sflag:s12] =	dma.local [hbm:s11], $0x2800  }
0x16: {  	_ =	swait.ge [sflag:s14], $0x2800  }
0x17: {  	[sflag:s14] =	ssyncset.done $0x0  }
0x18: {  	[sflag:s14] =	ssyncadd.s32 $0xFFFFD800  }
0x19: {  	[tilespmem:s2], [sflag:$0x3] =	stream.linear.gather [hbm4b:s5+s2], $0x1400, $0x38;
	[tilespmem:$0x1E800] =	vst v63  }
0x1a: {  	_ =	swait.ge [sflag:s14], $0x1400  }
0x1b: {  	[sflag:s14] =	ssyncset.done $0x0  }
0x1c: {  	[sflag:s14] =	ssyncadd.s32 $0xFFFFEC00  }
0x1d: {  	[tilespmem:s15], [sflag:$0x3] =	stream.linear.gather [hbm4b:s6+s2], $0x1400, $0x38;
	[tilespmem:$0x1E800] =	vst v63  }
0x1e: {  	_ =	swait.ge [sflag:s14], $0x1400  }
0x1f: {  	[sflag:s14] =	ssyncset.done $0x0  }
0x20: {  	[sflag:s14] =	ssyncadd.s32 $0xFFFFEC00  }
0x21: {  	[tilespmem:s17], [sflag:$0x1] =	stream.indirect.gather [hbm4b:s4+s16], $0x80, s2, s16, $0xb8;
	[tilespmem:$0x1E800] =	vst v63  }
0x22: {  	[bflag:$0x0] =	sbarrier.arrive $0xFFFF  }
0x23: {  	_ =	swait.ge [sflag:s18], $0x3E80  }
0x24: {  	[sflag:s18] =	ssyncset.done $0x0  }
0x25: {  	s25 =	simm.s32 $0x80;
	[sflag:s18] =	ssyncadd.s32 $0xFFFFC180  }
0x26: {  	[tilespmem:s19], [sflag:$0x2] =	stream.indirect.gather [hbm4b:s4+s16], $0x80, s25, s16, $0xb8;
	[tilespmem:$0x1E800] =	vst v63  }
0x27: {  	s29 =	simm.s32 $0x1400  }
0x28: {  	[spmem:s1] =	stream.indirect.scatter.add.f32 [tilespmem:s17], [sflag:$0x3], $0x80, s29, s16, $0xb8;
	[tilespmem:$0x1E800] =	vst v63  }
0x29: {  	_ =	swait.ge [sflag:s14], $0x3E80  }
0x2a: {  	[sflag:s14] =	ssyncset.done $0x0  }
0x2b: {  	[sflag:s14] =	ssyncadd.s32 $0xFFFFC180  }
0x2c: {  	_ =	swait.ge [sflag:s20], $0x3E80  }
0x2d: {  	[sflag:s20] =	ssyncset.done $0x0  }
0x2e: {  	s30 =	simm.s32 $0x100;
	[sflag:s20] =	ssyncadd.s32 $0xFFFFC180  }
0x2f: {  	[tilespmem:s17], [sflag:$0x1] =	stream.indirect.gather [hbm4b:s4+s16], $0x80, s30, s16, $0xb8;
	[tilespmem:$0x1E800] =	vst v63  }
0x30: {  	s31 =	simm.s32 $0x1480  }
0x31: {  	[spmem:s1] =	stream.indirect.scatter.add.f32 [tilespmem:s19], [sflag:$0x3], $0x80, s31, s16, $0xb8;
	[tilespmem:$0x1E800] =	vst v63  }
0x32: {  	_ =	swait.ge [sflag:s14], $0x3E80  }
0x33: {  	s25 =	simm.s32 $0x400;
	[sflag:s14] =	ssyncset.done $0x0  }
.LBB2_2:
0x34: {  	p0 =	sne.s32 s25, $0x4800  }
0x35: {  	[sflag:s14] =	ssyncadd.s32 $0xFFFFC180;
	s26 =	smov.u32 s25;
	s25 =	sadd.s32 $0x400, s25  }
0x36: {  	_ = 	snop  }
0x37: {  	_ =	swait.ge [sflag:s18], $0x3E80  }
0x38: {  	s26 =	sshra.s32 s26, $0x2;
	[sflag:s18] =	ssyncset.done $0x0  }
0x39: {  	s28 =	sadd.s32 $0x80, s26;
	[sflag:s18] =	ssyncadd.s32 $0xFFFFC180  }
0x3a: {  	[tilespmem:s19], [sflag:$0x2] =	stream.indirect.gather [hbm4b:s4+s16], $0x80, s28, s16, $0xb8;
	[tilespmem:$0x1E800] =	vst v63  }
0x3b: {  	s28 =	sadd.s32 $0x1400, s26  }
0x3c: {  	[spmem:s1] =	stream.indirect.scatter.add.f32 [tilespmem:s17], [sflag:$0x3], $0x80, s28, s16, $0xb8;
	[tilespmem:$0x1E800] =	vst v63  }
0x3d: {  	_ =	swait.ge [sflag:s14], $0x3E80  }
0x3e: {  	[sflag:s14] =	ssyncset.done $0x0  }
0x3f: {  	[sflag:s14] =	ssyncadd.s32 $0xFFFFC180  }
0x40: {  	_ =	swait.ge [sflag:s20], $0x3E80  }
0x41: {  	[sflag:s20] =	ssyncset.done $0x0  }
0x42: {  	s28 =	sadd.s32 $0x100, s26;
	[sflag:s20] =	ssyncadd.s32 $0xFFFFC180  }
0x43: {  	[tilespmem:s17], [sflag:$0x1] =	stream.indirect.gather [hbm4b:s4+s16], $0x80, s28, s16, $0xb8;
	[tilespmem:$0x1E800] =	vst v63  }
.Ltmp0:
0x44: {  	_ = 	snop;
	(pc) =	sbr.rel @p0 .LBB2_2-.Ltmp0, $4  }
0x45: {  	s26 =	sadd.s32 $0x1480, s26  }
0x46: {  	[spmem:s1] =	stream.indirect.scatter.add.f32 [tilespmem:s19], [sflag:$0x3], $0x80, s26, s16, $0xb8;
	[tilespmem:$0x1E800] =	vst v63  }
0x47: {  	_ =	swait.ge [sflag:s14], $0x3E80  }
0x48: {  	[sflag:s14] =	ssyncset.done $0x0  }
0x49: {  	[sflag:s14] =	ssyncadd.s32 $0xFFFFC180  }
0x4a: {  	_ =	swait.ge [sflag:s18], $0x3E80  }
0x4b: {  	[sflag:s18] =	ssyncset.done $0x0  }
0x4c: {  	[sflag:s18] =	ssyncadd.s32 $0xFFFFC180  }
0x4d: {  	[tilespmem:s19], [sflag:$0x2] =	stream.indirect.gather [hbm4b:s4+s16], $0x80, s21, s16, $0xb8;
	[tilespmem:$0x1E800] =	vst v63  }
0x4e: {  	_ = 	snop  }
0x4f: {  	[spmem:s1] =	stream.indirect.scatter.add.f32 [tilespmem:s17], [sflag:$0x3], $0x80, s22, s16, $0xb8;
	[tilespmem:$0x1E800] =	vst v63  }
0x50: {  	_ =	swait.ge [sflag:s14], $0x3E80  }
0x51: {  	[sflag:s14] =	ssyncset.done $0x0  }
0x52: {  	[sflag:s14] =	ssyncadd.s32 $0xFFFFC180  }
0x53: {  	_ =	swait.ge [sflag:s20], $0x3E80  }
0x54: {  	[sflag:s20] =	ssyncset.done $0x0  }
0x55: {  	[sflag:s20] =	ssyncadd.s32 $0xFFFFC180  }
0x56: {  	[spmem:s1] =	stream.indirect.scatter.add.f32 [tilespmem:s19], [sflag:$0x3], $0x80, s23, s16, $0xb8;
	[tilespmem:$0x1E800] =	vst v63  }
0x57: {  	_ =	swait.ge [sflag:s14], $0x3E80  }
0x58: {  	[sflag:s14] =	ssyncset.done $0x0  }
0x59: {  	s25 =	simm.s32 $0x0;
	[sflag:s14] =	ssyncadd.s32 $0xFFFFC180  }
0x5a: {  	[tilespmem:s25], [sflag:$0x3] =	stream.linear.gather [hbm4b:s7+s25], $0x1400, $0x38;
	[tilespmem:$0x1E800] =	vst v63  }
0x5b: {  	_ =	swait.ge [sflag:s14], $0x1400  }
0x5c: {  	[sflag:s14] =	ssyncset.done $0x0  }
0x5d: {  	[sflag:s14] =	ssyncadd.s32 $0xFFFFEC00  }
0x5e: {  	[tilespmem:s15], [sflag:$0x3] =	stream.linear.gather [hbm4b:s8+s25], $0x1400, $0x38;
	[tilespmem:$0x1E800] =	vst v63  }
0x5f: {  	_ =	swait.ge [sflag:s14], $0x1400  }
0x60: {  	[sflag:s14] =	ssyncset.done $0x0  }
0x61: {  	[sflag:s14] =	ssyncadd.s32 $0xFFFFEC00  }
0x62: {  	[tilespmem:s17], [sflag:$0x1] =	stream.indirect.gather [hbm4b:s4+s16], $0x80, s25, s16, $0xb8;
	[tilespmem:$0x1E800] =	vst v63  }
0x63: {  	_ =	swait.ge [sflag:s18], $0x3E80  }
0x64: {  	[sflag:s18] =	ssyncset.done $0x0  }
0x65: {  	s28 =	simm.s32 $0x80;
	[sflag:s18] =	ssyncadd.s32 $0xFFFFC180  }
0x66: {  	[tilespmem:s19], [sflag:$0x2] =	stream.indirect.gather [hbm4b:s4+s16], $0x80, s28, s16, $0xb8;
	[tilespmem:$0x1E800] =	vst v63  }
0x67: {  	s29 =	simm.s32 $0x1400  }
0x68: {  	[spmem:s1] =	stream.indirect.scatter.add.f32 [tilespmem:s17], [sflag:$0x3], $0x80, s29, s16, $0xb8;
	[tilespmem:$0x1E800] =	vst v63  }
0x69: {  	_ =	swait.ge [sflag:s14], $0x3E80  }
0x6a: {  	[sflag:s14] =	ssyncset.done $0x0  }
0x6b: {  	[sflag:s14] =	ssyncadd.s32 $0xFFFFC180  }
0x6c: {  	_ =	swait.ge [sflag:s20], $0x3E80  }
0x6d: {  	[sflag:s20] =	ssyncset.done $0x0  }
0x6e: {  	s30 =	simm.s32 $0x100;
	[sflag:s20] =	ssyncadd.s32 $0xFFFFC180  }
0x6f: {  	[tilespmem:s17], [sflag:$0x1] =	stream.indirect.gather [hbm4b:s4+s16], $0x80, s30, s16, $0xb8;
	[tilespmem:$0x1E800] =	vst v63  }
0x70: {  	s31 =	simm.s32 $0x1480  }
0x71: {  	[spmem:s1] =	stream.indirect.scatter.add.f32 [tilespmem:s19], [sflag:$0x3], $0x80, s31, s16, $0xb8;
	[tilespmem:$0x1E800] =	vst v63  }
0x72: {  	_ =	swait.ge [sflag:s14], $0x3E80  }
0x73: {  	s25 =	simm.s32 $0x400;
	[sflag:s14] =	ssyncset.done $0x0  }
.LBB2_4:
0x74: {  	p0 =	sne.s32 s25, $0x4800  }
0x75: {  	[sflag:s14] =	ssyncadd.s32 $0xFFFFC180;
	s26 =	smov.u32 s25;
	s25 =	sadd.s32 $0x400, s25  }
0x76: {  	_ = 	snop  }
0x77: {  	_ =	swait.ge [sflag:s18], $0x3E80  }
0x78: {  	s26 =	sshra.s32 s26, $0x2;
	[sflag:s18] =	ssyncset.done $0x0  }
0x79: {  	s28 =	sadd.s32 $0x80, s26;
	[sflag:s18] =	ssyncadd.s32 $0xFFFFC180  }
0x7a: {  	[tilespmem:s19], [sflag:$0x2] =	stream.indirect.gather [hbm4b:s4+s16], $0x80, s28, s16, $0xb8;
	[tilespmem:$0x1E800] =	vst v63  }
0x7b: {  	s28 =	sadd.s32 $0x1400, s26  }
0x7c: {  	[spmem:s1] =	stream.indirect.scatter.add.f32 [tilespmem:s17], [sflag:$0x3], $0x80, s28, s16, $0xb8;
	[tilespmem:$0x1E800] =	vst v63  }
0x7d: {  	_ =	swait.ge [sflag:s14], $0x3E80  }
0x7e: {  	[sflag:s14] =	ssyncset.done $0x0  }
0x7f: {  	[sflag:s14] =	ssyncadd.s32 $0xFFFFC180  }
0x80: {  	_ =	swait.ge [sflag:s20], $0x3E80  }
0x81: {  	[sflag:s20] =	ssyncset.done $0x0  }
0x82: {  	s28 =	sadd.s32 $0x100, s26;
	[sflag:s20] =	ssyncadd.s32 $0xFFFFC180  }
0x83: {  	[tilespmem:s17], [sflag:$0x1] =	stream.indirect.gather [hbm4b:s4+s16], $0x80, s28, s16, $0xb8;
	[tilespmem:$0x1E800] =	vst v63  }
.Ltmp1:
0x84: {  	_ = 	snop;
	(pc) =	sbr.rel @p0 .LBB2_4-.Ltmp1, $4  }
0x85: {  	s26 =	sadd.s32 $0x1480, s26  }
0x86: {  	[spmem:s1] =	stream.indirect.scatter.add.f32 [tilespmem:s19], [sflag:$0x3], $0x80, s26, s16, $0xb8;
	[tilespmem:$0x1E800] =	vst v63  }
0x87: {  	_ =	swait.ge [sflag:s14], $0x3E80  }
0x88: {  	[sflag:s14] =	ssyncset.done $0x0  }
0x89: {  	[sflag:s14] =	ssyncadd.s32 $0xFFFFC180  }
0x8a: {  	_ =	swait.ge [sflag:s18], $0x3E80  }
0x8b: {  	[sflag:s18] =	ssyncset.done $0x0  }
0x8c: {  	[sflag:s18] =	ssyncadd.s32 $0xFFFFC180  }
0x8d: {  	[tilespmem:s19], [sflag:$0x2] =	stream.indirect.gather [hbm4b:s4+s16], $0x80, s21, s16, $0xb8;
	[tilespmem:$0x1E800] =	vst v63  }
0x8e: {  	_ = 	snop  }
0x8f: {  	[spmem:s1] =	stream.indirect.scatter.add.f32 [tilespmem:s17], [sflag:$0x3], $0x80, s22, s16, $0xb8;
	[tilespmem:$0x1E800] =	vst v63  }
0x90: {  	_ =	swait.ge [sflag:s14], $0x3E80  }
0x91: {  	[sflag:s14] =	ssyncset.done $0x0  }
0x92: {  	[sflag:s14] =	ssyncadd.s32 $0xFFFFC180  }
0x93: {  	_ =	swait.ge [sflag:s20], $0x3E80  }
0x94: {  	[sflag:s20] =	ssyncset.done $0x0  }
0x95: {  	[sflag:s20] =	ssyncadd.s32 $0xFFFFC180  }
0x96: {  	[spmem:s1] =	stream.indirect.scatter.add.f32 [tilespmem:s19], [sflag:$0x3], $0x80, s23, s16, $0xb8;
	[tilespmem:$0x1E800] =	vst v63  }
0x97: {  	_ =	swait.ge [sflag:s14], $0x3E80  }
0x98: {  	s24 =	sadd.s32 $0x1, s24;
	[sflag:s14] =	ssyncset.done $0x0  }
0x99: {  	p0 =	sne.s32 s24, s10;
	[sflag:s14] =	ssyncadd.s32 $0xFFFFC180  }
.Ltmp2:
0x9a: {  	[bflag:$0x0] =	sbarrier.arrive $0xFFFF;
	(pc) =	sbr.rel @p0 .LBB2_1-.Ltmp2, $4  }
0x9b: {  	[hbm:s9], [sflag:s12] =	dma.local [spmem:s13], $0x2800  }
0x9c: {  	_ =	swait.ge [sflag:s14], $0x2800  }
0x9d: {  	[sflag:s14] =	ssyncset.done $0x0  }
0x9e: {  	[sflag:s14] =	ssyncadd.s32 $0xFFFFD800  }
0x9f: {  	_ =	sfence.sel $0x180000  }
0xa0: {  	[bflag:$0x0] =	sbarrier.arrive $0xFFFF  }
0xa1: {  	p0 =	sne.s32 s3, $0x0;
	_ =	strace $0x9000004A  }
0xa2: {  	s0 =	sadd.s32 @!p0 $0x100000, s0;
	[bflag:$0x2] =	sbarrier.arrive $0xFFFF  }
0xa3: {  	[sflag:s0] =	ssyncadd.tile.s32 @!p0 $0x1;
	_ =	shalt  }
.Lfunc_end2:
_tile_overlayer_lowered:
.L_overlay_start_2:
0xa4: {  	(tag) =	ssettag $0x2  }
0xa5: {  	s0 =	rddreg [dreg:$0x0];
	s2 =	stileid.u32  }
0xa6: {  	s1 =	rddreg [dreg:$0x1];
	p0 =	sne.s32 s2, $0x0  }
0xa7: {  	s3 =	rddreg [dreg:$0x2];
	[bflag:$0x3] =	sbarrier.arrive $0xFFFF;
	s2 =	simm.s32 @!p0 $0x1C03  }
0xa8: {  	[timem:s3], [sflag:s2] =	dma.local @!p0 [hbm:s0], s1  }
0xa9: {  	s0 =	simm.s32 @!p0 $0x3  }
0xaa: {  	_ =	swait.ge @!p0 [sflag:s0], s1  }
0xab: {  	s1 =	ssub.s32 @!p0 $0x0, s1;
	[sflag:s0] =	ssyncset.done @!p0 $0x0  }
0xac: {  	[sflag:s0] =	ssyncadd.s32 @!p0 s1  }
0xad: {  	[bflag:$0x3] =	sbarrier.arrive $0xFFFF  }
0xae: {  	_ =	shalt  }

</sc_bundles>
